<compile_context>
chip_gen: v7x
topology: tpu7x:2x2x1
jax: 0.10.2.dev20260603
libtpu: 0.0.44.dev20260713+nightly
codegen_flags: <defaults>
</compile_context>

<pallas_src>
import functools

import jax
import jax.numpy as jnp
from jax import lax
from jax.experimental import pallas as pl
from jax.experimental.pallas import tpu as pltpu
from jax.experimental.pallas import tpu_sc as plsc

N_NODES = 10000
N_EDGES = 320000
D = 128
D_OUT = 128
NC, NS = 2, 16
NW = NC * NS
CHUNK = 128
NCHUNK = -(-N_EDGES // (NW * CHUNK))
EPT = NCHUNK * CHUNK
E_PAD = EPT * NW
N_PAD = 10240
RPT = N_PAD // NS
DROWS = N_PAD // 128
DRPT = 8
DWRITERS = DROWS // DRPT


def _sc_body(x_hbm, src_hbm, dst_hbm, riota_hbm, p_hbm, d_hbm,
             src_v, dst_v, rows_v, dloc_v, riota_v, agg_sh, deg_sh, sem):
    s = lax.axis_index("s")
    c = lax.axis_index("c")
    w = c * NS + s

    def _zr(i, _):
        rows_v[i // 8, pl.ds((i % 8) * 16, 16)] = jnp.zeros((16,), jnp.float32)
        return 0
    lax.fori_loop(0, CHUNK * 8, _zr, 0)

    def _zd(i, _):
        dloc_v[i // 8, pl.ds((i % 8) * 16, 16)] = jnp.zeros((16,), jnp.float32)
        return 0
    lax.fori_loop(0, DROWS * 8, _zd, 0)

    for z in range(RPT // CHUNK):
        pltpu.sync_copy(rows_v, agg_sh.at[pl.ds(s * RPT + z * CHUNK, CHUNK)])

    @pl.when(s < DWRITERS)
    def _():
        pltpu.sync_copy(rows_v.at[pl.ds(0, DRPT)], deg_sh.at[pl.ds(s * DRPT, DRPT)])
    plsc.subcore_barrier()

    pltpu.sync_copy(src_hbm.at[w], src_v)
    pltpu.sync_copy(dst_hbm.at[w], dst_v)
    pltpu.sync_copy(riota_hbm, riota_v)

    cnt0, _ = plsc.scan_count(riota_v[pl.ds(0, 16)])
    basefix = 1 - lax.reduce_max(cnt0, axes=(0,))

    def _chunk(j, _):
        cp = pltpu.async_copy(x_hbm.at[src_v.at[j]], rows_v, sem)
        for q in range(CHUNK // 16):
            d16 = dst_v[j, pl.ds(q * 16, 16)]
            cnt, last = plsc.scan_count(d16)
            val = (cnt + basefix).astype(jnp.float32)
            plsc.addupdate_scatter(
                dloc_v,
                [lax.shift_right_logical(d16, 7), lax.bitwise_and(d16, 127)],
                val, mask=last)
        cp.wait()
        pltpu.sync_copy(rows_v, agg_sh.at[dst_v.at[j]], add=True)
        return 0
    lax.fori_loop(0, NCHUNK, _chunk, 0)

    plsc.subcore_barrier()
    pltpu.sync_copy(dloc_v, deg_sh.at[riota_v], add=True)
    plsc.subcore_barrier()

    pltpu.sync_copy(agg_sh.at[pl.ds(s * RPT, RPT)], p_hbm.at[c, pl.ds(s * RPT, RPT)])

    @pl.when(s < DWRITERS)
    def _():
        pltpu.sync_copy(deg_sh.at[pl.ds(s * DRPT, DRPT)],
                        d_hbm.at[c, pl.ds(s * DRPT, DRPT)])


@functools.partial(
    pl.kernel,
    out_type=[
        jax.ShapeDtypeStruct((NC, N_PAD, D), jnp.float32),
        jax.ShapeDtypeStruct((NC, DROWS, 128), jnp.float32),
    ],
    mesh=plsc.VectorSubcoreMesh(core_axis_name="c", subcore_axis_name="s"),
    compiler_params=pltpu.CompilerParams(needs_layout_passes=False),
    scratch_types=[
        pltpu.VMEM((NCHUNK, CHUNK), jnp.int32),
        pltpu.VMEM((NCHUNK, CHUNK), jnp.int32),
        pltpu.VMEM((CHUNK, D), jnp.float32),
        pltpu.VMEM((DROWS, 128), jnp.float32),
        pltpu.VMEM((DROWS,), jnp.int32),
        pltpu.VMEM_SHARED((N_PAD, D), jnp.float32),
        pltpu.VMEM_SHARED((DROWS, 128), jnp.float32),
        pltpu.SemaphoreType.DMA,
    ],
)
def _sc_aggregate(*refs):
    _sc_body(*refs)


ROWS_BLK = 1024


def _tc_linear_body(x_ref, p_ref, d_ref, wt_ref, b_ref, o_ref):
    agg = p_ref[0] + p_ref[1]
    deg = d_ref[0] + d_ref[1]
    hn = agg * (1.0 / jnp.maximum(deg, 1.0))
    o_ref[...] = (
        jnp.dot(x_ref[...], wt_ref[:D, :], preferred_element_type=jnp.float32)
        + jnp.dot(hn, wt_ref[D:, :], preferred_element_type=jnp.float32)
        + b_ref[...]
    )


def _tc_linear(xp, p, d, wt, b2):
    grid = (N_PAD // ROWS_BLK,)
    return pl.pallas_call(
        _tc_linear_body,
        grid=grid,
        in_specs=[
            pl.BlockSpec((ROWS_BLK, D), lambda i: (i, 0)),
            pl.BlockSpec((NC, ROWS_BLK, D), lambda i: (0, i, 0)),
            pl.BlockSpec((NC, ROWS_BLK, 1), lambda i: (0, i, 0)),
            pl.BlockSpec((2 * D, D_OUT), lambda i: (0, 0)),
            pl.BlockSpec((1, D_OUT), lambda i: (0, 0)),
        ],
        out_specs=pl.BlockSpec((ROWS_BLK, D_OUT), lambda i: (i, 0)),
        out_shape=jax.ShapeDtypeStruct((N_PAD, D_OUT), jnp.float32),
    )(xp, p, d, wt, b2)


def kernel(x, edge_index, W, b):
    ei = edge_index.astype(jnp.int32)
    pad = E_PAD - N_EDGES
    src = jnp.pad(ei[0], (0, pad)).reshape(NW, NCHUNK, CHUNK)
    dst = jnp.pad(ei[1], (0, pad), constant_values=N_NODES).reshape(NW, NCHUNK, CHUNK)
    riota = jnp.arange(DROWS, dtype=jnp.int32)
    p, d = _sc_aggregate(x, src, dst, riota)
    xp = jnp.pad(x, ((0, N_PAD - N_NODES), (0, 0)))
    out = _tc_linear(xp, p, d.reshape(NC, N_PAD, 1), W.T, b.reshape(1, D_OUT))
    return out[:N_NODES]

# --- scband reference (transcript-rebuilt; emitter-appended) ---
"""Pipeline reference for scband-sage-36962488549638 (READ-ONLY COPY).

The authoritative reference and input builder live on the scoring server;
editing this copy changes nothing except your own understanding.
"""

import jax, jax.numpy as jnp
import numpy as np

N_NODES = 10000
N_EDGES = 320000
D_FEAT = 128
D_OUT = 128


def setup_inputs(seed: int = 0) -> dict:
    key = jax.random.key(seed)
    k1, k2, k3, k4, k5 = jax.random.split(key, 5)
    x = jax.random.normal(k1, (N_NODES, D_FEAT), dtype=jnp.float32)
    edge_index = jax.random.randint(k2, (2, N_EDGES), 0, N_NODES, dtype=jnp.int64)
    # nn.Linear(in_feat*2, out_feat): W [out, 2*in], b [out]
    fan_in = 2 * D_FEAT
    bound = 1.0 / np.sqrt(fan_in)
    W = jax.random.uniform(k3, (D_OUT, 2 * D_FEAT), minval=-bound, maxval=bound, dtype=jnp.float32)
    b = jax.random.uniform(k4, (D_OUT,), minval=-bound, maxval=bound, dtype=jnp.float32)
    return {"x": x, "edge_index": edge_index, "W": W, "b": b}


def reference(x, edge_index, W, b):
    # DGL update_all(copy_u('h','m'), mean('m','h_N')):
    # gather source features along edges, mean-reduce by destination node.
    src = edge_index[0]
    dst = edge_index[1]
    msgs = jnp.take(x, src, axis=0)                     # gather  [E, d]
    agg = jax.ops.segment_sum(msgs, dst, num_segments=N_NODES)   # scatter-add [N, d]
    deg = jax.ops.segment_sum(jnp.ones((edge_index.shape[1],), dtype=x.dtype), dst, num_segments=N_NODES)
    h_N = agg / jnp.maximum(deg, 1.0)[:, None]          # mean; zero-in-degree nodes -> 0
    h_total = jnp.concatenate([x, h_N], axis=1)         # [N, 2d]
    return h_total @ W.T + b

if __name__ == "__main__":
    import jax
    _d = setup_inputs()
    print(jax.jit(kernel)(*tuple(_d.values())))

</pallas_src>

<mosaic_0001>
#map = affine_map<(d0, d1) -> (0, 0)>
#map1 = affine_map<(d0, d1) -> (0, 0, 0)>
#map2 = affine_map<(d0, d1) -> (0)>
module attributes {stable_mosaic.version = 14 : i64} {
  func.func @_sc_aggregate(%arg0: i32, %arg1: i32, %arg2: memref<10000x128xf32, #tpu.memory_space<hbm>>, %arg3: memref<32x79x128xi32, #tpu.memory_space<hbm>>, %arg4: memref<32x79x128xi32, #tpu.memory_space<hbm>>, %arg5: memref<80xi32, #tpu.memory_space<hbm>>, %arg6: memref<2x10240x128xf32, #tpu.memory_space<hbm>>, %arg7: memref<2x80x128xf32, #tpu.memory_space<hbm>>, %arg8: memref<79x128xi32, #tpu.memory_space<vmem>>, %arg9: memref<79x128xi32, #tpu.memory_space<vmem>>, %arg10: memref<128x128xf32, #tpu.memory_space<vmem>>, %arg11: memref<80x128xf32, #tpu.memory_space<vmem>>, %arg12: memref<80xi32, #tpu.memory_space<vmem>>, %arg13: memref<10240x128xf32, #tpu.memory_space<vmem_shared>>, %arg14: memref<80x128xf32, #tpu.memory_space<vmem_shared>>, %arg15: memref<!tpu.dma_semaphore, #tpu.memory_space<semaphore_mem>>) attributes {dimension_semantics = [#tpu.dimension_semantics<core_parallel>, #tpu.dimension_semantics<subcore_parallel>], iteration_bounds = array<i64: 2, 16>, scalar_prefetch = 0 : i64, scratch_operands = 8 : i64, tpu.core_type = #tpu.core_type<sc_vector_subcore>, window_params = [{transform_indices = #map}, {transform_indices = #map1}, {transform_indices = #map1}, {transform_indices = #map2}, {transform_indices = #map1}, {transform_indices = #map1}]} {
    %mul3A = arith.constant 16 : i32
    %mul3A_0 = arith.muli %arg0, %mul3A : i32
    %add3A = arith.addi %mul3A_0, %arg1 : i32
    %scan3A = arith.constant 0 : i32
    %scan3A_1 = arith.constant 0 : i32
    %scan3A_2 = arith.constant 1024 : i32
    %scan3A_3 = arith.addi %scan3A_1, %scan3A_2 : i32
    %scan3A_4 = arith.constant 1 : i32
    %scan3A_5 = scf.for %scan3A_65 = %scan3A_1 to %scan3A_3 step %scan3A_4 iter_args(%scan3A_66 = %scan3A) -> (i32)  : i32 {
      %broadcast_in_dim3A_67 = arith.constant 0.000000e+00 : f32
      %broadcast_in_dim3A_68 = vector.broadcast %broadcast_in_dim3A_67 : f32 to vector<16xf32>
      %jit3A = arith.constant 8 : i32
      %div3A = arith.divsi %scan3A_65, %jit3A : i32
      %sign3A = arith.constant 0 : i32
      %sign3A_69 = arith.cmpi sgt, %scan3A_65, %sign3A : i32
      %sign3A_70 = arith.extui %sign3A_69 : i1 to i32
      %sign3A_71 = arith.constant 0 : i32
      %sign3A_72 = arith.cmpi slt, %scan3A_65, %sign3A_71 : i32
      %sign3A_73 = arith.extui %sign3A_72 : i1 to i32
      %sign3A_74 = arith.subi %sign3A_70, %sign3A_73 : i32
      %sign3A_75 = arith.constant 0 : i32
      %sign3A_76 = arith.cmpi sgt, %jit3A, %sign3A_75 : i32
      %sign3A_77 = arith.extui %sign3A_76 : i1 to i32
      %sign3A_78 = arith.constant 0 : i32
      %sign3A_79 = arith.cmpi slt, %jit3A, %sign3A_78 : i32
      %sign3A_80 = arith.extui %sign3A_79 : i1 to i32
      %sign3A_81 = arith.subi %sign3A_77, %sign3A_80 : i32
      %ne3A = arith.cmpi ne, %sign3A_74, %sign3A_81 : i32
      %rem3A = arith.remsi %scan3A_65, %jit3A : i32
      %ne3A_82 = arith.constant 0 : i32
      %ne3A_83 = arith.cmpi ne, %rem3A, %ne3A_82 : i32
      %and3A = arith.andi %ne3A, %ne3A_83 : i1
      %sub3A_84 = arith.constant 1 : i32
      %sub3A_85 = arith.subi %div3A, %sub3A_84 : i32
      %select_n3A = arith.select %and3A, %sub3A_85, %div3A : i32
      %jit3A_86 = arith.constant 8 : i32
      %eq3A = arith.constant 0 : i32
      %eq3A_87 = arith.cmpi eq, %jit3A_86, %eq3A : i32
      %jit3A_88 = arith.constant 1 : i32
      %select_n3A_89 = arith.select %eq3A_87, %jit3A_88, %jit3A_86 : i32
      %rem3A_90 = arith.remsi %scan3A_65, %select_n3A_89 : i32
      %ne3A_91 = arith.constant 0 : i32
      %ne3A_92 = arith.cmpi ne, %rem3A_90, %ne3A_91 : i32
      %lt3A_93 = arith.constant 0 : i32
      %lt3A_94 = arith.cmpi slt, %rem3A_90, %lt3A_93 : i32
      %lt3A_95 = arith.constant 0 : i32
      %lt3A_96 = arith.cmpi slt, %select_n3A_89, %lt3A_95 : i32
      %ne3A_97 = arith.xori %lt3A_94, %lt3A_96 : i1
      %and3A_98 = arith.andi %ne3A_97, %ne3A_92 : i1
      %add3A_99 = arith.addi %rem3A_90, %select_n3A_89 : i32
      %select_n3A_100 = arith.select %and3A_98, %add3A_99, %rem3A_90 : i32
      %mul3A_101 = arith.constant 16 : i32
      %mul3A_102 = arith.muli %select_n3A_100, %mul3A_101 : i32
      %swap3A = arith.index_cast %select_n3A : i32 to index
      %swap3A_103 = arith.index_cast %mul3A_102 : i32 to index
      %swap3A_104 = tpu.vector_load %arg10[%swap3A, %swap3A_103] {strides = array<i32>} : memref<128x128xf32, #tpu.memory_space<vmem>>, vector<16xf32>,
      tpu.vector_store %arg10[%swap3A, %swap3A_103], %broadcast_in_dim3A_68 {strides = array<i32>} : memref<128x128xf32, #tpu.memory_space<vmem>>, vector<16xf32>,
      %scan3A_105 = arith.constant 0 : i32
      scf.yield %scan3A_105 : i32
    }
    %scan3A_6 = arith.constant 1024 : i32
    %scan3A_7 = arith.constant 0 : i32
    %scan3A_8 = arith.constant 0 : i32
    %scan3A_9 = arith.constant 640 : i32
    %scan3A_10 = arith.addi %scan3A_8, %scan3A_9 : i32
    %scan3A_11 = arith.constant 1 : i32
    %scan3A_12 = scf.for %scan3A_65 = %scan3A_8 to %scan3A_10 step %scan3A_11 iter_args(%scan3A_66 = %scan3A_7) -> (i32)  : i32 {
      %broadcast_in_dim3A_67 = arith.constant 0.000000e+00 : f32
      %broadcast_in_dim3A_68 = vector.broadcast %broadcast_in_dim3A_67 : f32 to vector<16xf32>
      %jit3A = arith.constant 8 : i32
      %div3A = arith.divsi %scan3A_65, %jit3A : i32
      %sign3A = arith.constant 0 : i32
      %sign3A_69 = arith.cmpi sgt, %scan3A_65, %sign3A : i32
      %sign3A_70 = arith.extui %sign3A_69 : i1 to i32
      %sign3A_71 = arith.constant 0 : i32
      %sign3A_72 = arith.cmpi slt, %scan3A_65, %sign3A_71 : i32
      %sign3A_73 = arith.extui %sign3A_72 : i1 to i32
      %sign3A_74 = arith.subi %sign3A_70, %sign3A_73 : i32
      %sign3A_75 = arith.constant 0 : i32
      %sign3A_76 = arith.cmpi sgt, %jit3A, %sign3A_75 : i32
      %sign3A_77 = arith.extui %sign3A_76 : i1 to i32
      %sign3A_78 = arith.constant 0 : i32
      %sign3A_79 = arith.cmpi slt, %jit3A, %sign3A_78 : i32
      %sign3A_80 = arith.extui %sign3A_79 : i1 to i32
      %sign3A_81 = arith.subi %sign3A_77, %sign3A_80 : i32
      %ne3A = arith.cmpi ne, %sign3A_74, %sign3A_81 : i32
      %rem3A = arith.remsi %scan3A_65, %jit3A : i32
      %ne3A_82 = arith.constant 0 : i32
      %ne3A_83 = arith.cmpi ne, %rem3A, %ne3A_82 : i32
      %and3A = arith.andi %ne3A, %ne3A_83 : i1
      %sub3A_84 = arith.constant 1 : i32
      %sub3A_85 = arith.subi %div3A, %sub3A_84 : i32
      %select_n3A = arith.select %and3A, %sub3A_85, %div3A : i32
      %jit3A_86 = arith.constant 8 : i32
      %eq3A = arith.constant 0 : i32
      %eq3A_87 = arith.cmpi eq, %jit3A_86, %eq3A : i32
      %jit3A_88 = arith.constant 1 : i32
      %select_n3A_89 = arith.select %eq3A_87, %jit3A_88, %jit3A_86 : i32
      %rem3A_90 = arith.remsi %scan3A_65, %select_n3A_89 : i32
      %ne3A_91 = arith.constant 0 : i32
      %ne3A_92 = arith.cmpi ne, %rem3A_90, %ne3A_91 : i32
      %lt3A_93 = arith.constant 0 : i32
      %lt3A_94 = arith.cmpi slt, %rem3A_90, %lt3A_93 : i32
      %lt3A_95 = arith.constant 0 : i32
      %lt3A_96 = arith.cmpi slt, %select_n3A_89, %lt3A_95 : i32
      %ne3A_97 = arith.xori %lt3A_94, %lt3A_96 : i1
      %and3A_98 = arith.andi %ne3A_97, %ne3A_92 : i1
      %add3A_99 = arith.addi %rem3A_90, %select_n3A_89 : i32
      %select_n3A_100 = arith.select %and3A_98, %add3A_99, %rem3A_90 : i32
      %mul3A_101 = arith.constant 16 : i32
      %mul3A_102 = arith.muli %select_n3A_100, %mul3A_101 : i32
      %swap3A = arith.index_cast %select_n3A : i32 to index
      %swap3A_103 = arith.index_cast %mul3A_102 : i32 to index
      %swap3A_104 = tpu.vector_load %arg11[%swap3A, %swap3A_103] {strides = array<i32>} : memref<80x128xf32, #tpu.memory_space<vmem>>, vector<16xf32>,
      tpu.vector_store %arg11[%swap3A, %swap3A_103], %broadcast_in_dim3A_68 {strides = array<i32>} : memref<80x128xf32, #tpu.memory_space<vmem>>, vector<16xf32>,
      %scan3A_105 = arith.constant 0 : i32
      scf.yield %scan3A_105 : i32
    }
    %scan3A_13 = arith.constant 640 : i32
    %mul3A_14 = arith.constant 640 : i32
    %mul3A_15 = arith.muli %arg1, %mul3A_14 : i32
    %add3A_16 = arith.constant 0 : i32
    %add3A_17 = arith.addi %mul3A_15, %add3A_16 : i32
    "tpu.region"() ({
      %run_scoped3A = tpu.sem_alloc : memref<!tpu.dma_semaphore, #tpu.memory_space<semaphore_mem>>
      %dma_start3A = arith.constant 0 : i32
      %dma_start3A_65 = tpu.memref_slice %arg13[%add3A_17, %dma_start3A] : memref<10240x128xf32, #tpu.memory_space<vmem_shared>> -> memref<128x128xf32, #tpu.memory_space<vmem_shared>>
      %dma_start3A_66 = arith.constant 0 : i32
      %dma_start3A_67 = tpu.memref_slice %arg13[%add3A_17, %dma_start3A_66] : memref<10240x128xf32, #tpu.memory_space<vmem_shared>> -> memref<128x128xf32, #tpu.memory_space<vmem_shared>>
      tpu.enqueue_dma source(%arg10 : memref<128x128xf32, #tpu.memory_space<vmem>>) target(%dma_start3A_67 : memref<128x128xf32, #tpu.memory_space<vmem_shared>>) target_semaphore(%run_scoped3A : memref<!tpu.dma_semaphore, #tpu.memory_space<semaphore_mem>>)
      %dma_wait3A = arith.constant 0 : i32
      %dma_wait3A_68 = tpu.memref_slice %arg13[%add3A_17, %dma_wait3A] : memref<10240x128xf32, #tpu.memory_space<vmem_shared>> -> memref<128x128xf32, #tpu.memory_space<vmem_shared>>
      %dma_wait3A_69 = arith.constant 0 : i32
      %dma_wait3A_70 = tpu.memref_slice %arg13[%add3A_17, %dma_wait3A_69] : memref<10240x128xf32, #tpu.memory_space<vmem_shared>> -> memref<128x128xf32, #tpu.memory_space<vmem_shared>>
      tpu.wait_dma2 semaphore(%run_scoped3A : memref<!tpu.dma_semaphore, #tpu.memory_space<semaphore_mem>>) src(%arg10 : memref<128x128xf32, #tpu.memory_space<vmem>>) dst(%dma_wait3A_70 : memref<128x128xf32, #tpu.memory_space<vmem_shared>>)
      tpu.yield
    }) : () -> ()
    %mul3A_18 = arith.constant 640 : i32
    %mul3A_19 = arith.muli %arg1, %mul3A_18 : i32
    %add3A_20 = arith.constant 128 : i32
    %add3A_21 = arith.addi %mul3A_19, %add3A_20 : i32
    "tpu.region"() ({
      %run_scoped3A = tpu.sem_alloc : memref<!tpu.dma_semaphore, #tpu.memory_space<semaphore_mem>>
      %dma_start3A = arith.constant 0 : i32
      %dma_start3A_65 = tpu.memref_slice %arg13[%add3A_21, %dma_start3A] : memref<10240x128xf32, #tpu.memory_space<vmem_shared>> -> memref<128x128xf32, #tpu.memory_space<vmem_shared>>
      %dma_start3A_66 = arith.constant 0 : i32
      %dma_start3A_67 = tpu.memref_slice %arg13[%add3A_21, %dma_start3A_66] : memref<10240x128xf32, #tpu.memory_space<vmem_shared>> -> memref<128x128xf32, #tpu.memory_space<vmem_shared>>
      tpu.enqueue_dma source(%arg10 : memref<128x128xf32, #tpu.memory_space<vmem>>) target(%dma_start3A_67 : memref<128x128xf32, #tpu.memory_space<vmem_shared>>) target_semaphore(%run_scoped3A : memref<!tpu.dma_semaphore, #tpu.memory_space<semaphore_mem>>)
      %dma_wait3A = arith.constant 0 : i32
      %dma_wait3A_68 = tpu.memref_slice %arg13[%add3A_21, %dma_wait3A] : memref<10240x128xf32, #tpu.memory_space<vmem_shared>> -> memref<128x128xf32, #tpu.memory_space<vmem_shared>>
      %dma_wait3A_69 = arith.constant 0 : i32
      %dma_wait3A_70 = tpu.memref_slice %arg13[%add3A_21, %dma_wait3A_69] : memref<10240x128xf32, #tpu.memory_space<vmem_shared>> -> memref<128x128xf32, #tpu.memory_space<vmem_shared>>
      tpu.wait_dma2 semaphore(%run_scoped3A : memref<!tpu.dma_semaphore, #tpu.memory_space<semaphore_mem>>) src(%arg10 : memref<128x128xf32, #tpu.memory_space<vmem>>) dst(%dma_wait3A_70 : memref<128x128xf32, #tpu.memory_space<vmem_shared>>)
      tpu.yield
    }) : () -> ()
    %mul3A_22 = arith.constant 640 : i32
    %mul3A_23 = arith.muli %arg1, %mul3A_22 : i32
    %add3A_24 = arith.constant 256 : i32
    %add3A_25 = arith.addi %mul3A_23, %add3A_24 : i32
    "tpu.region"() ({
      %run_scoped3A = tpu.sem_alloc : memref<!tpu.dma_semaphore, #tpu.memory_space<semaphore_mem>>
      %dma_start3A = arith.constant 0 : i32
      %dma_start3A_65 = tpu.memref_slice %arg13[%add3A_25, %dma_start3A] : memref<10240x128xf32, #tpu.memory_space<vmem_shared>> -> memref<128x128xf32, #tpu.memory_space<vmem_shared>>
      %dma_start3A_66 = arith.constant 0 : i32
      %dma_start3A_67 = tpu.memref_slice %arg13[%add3A_25, %dma_start3A_66] : memref<10240x128xf32, #tpu.memory_space<vmem_shared>> -> memref<128x128xf32, #tpu.memory_space<vmem_shared>>
      tpu.enqueue_dma source(%arg10 : memref<128x128xf32, #tpu.memory_space<vmem>>) target(%dma_start3A_67 : memref<128x128xf32, #tpu.memory_space<vmem_shared>>) target_semaphore(%run_scoped3A : memref<!tpu.dma_semaphore, #tpu.memory_space<semaphore_mem>>)
      %dma_wait3A = arith.constant 0 : i32
      %dma_wait3A_68 = tpu.memref_slice %arg13[%add3A_25, %dma_wait3A] : memref<10240x128xf32, #tpu.memory_space<vmem_shared>> -> memref<128x128xf32, #tpu.memory_space<vmem_shared>>
      %dma_wait3A_69 = arith.constant 0 : i32
      %dma_wait3A_70 = tpu.memref_slice %arg13[%add3A_25, %dma_wait3A_69] : memref<10240x128xf32, #tpu.memory_space<vmem_shared>> -> memref<128x128xf32, #tpu.memory_space<vmem_shared>>
      tpu.wait_dma2 semaphore(%run_scoped3A : memref<!tpu.dma_semaphore, #tpu.memory_space<semaphore_mem>>) src(%arg10 : memref<128x128xf32, #tpu.memory_space<vmem>>) dst(%dma_wait3A_70 : memref<128x128xf32, #tpu.memory_space<vmem_shared>>)
      tpu.yield
    }) : () -> ()
    %mul3A_26 = arith.constant 640 : i32
    %mul3A_27 = arith.muli %arg1, %mul3A_26 : i32
    %add3A_28 = arith.constant 384 : i32
    %add3A_29 = arith.addi %mul3A_27, %add3A_28 : i32
    "tpu.region"() ({
      %run_scoped3A = tpu.sem_alloc : memref<!tpu.dma_semaphore, #tpu.memory_space<semaphore_mem>>
      %dma_start3A = arith.constant 0 : i32
      %dma_start3A_65 = tpu.memref_slice %arg13[%add3A_29, %dma_start3A] : memref<10240x128xf32, #tpu.memory_space<vmem_shared>> -> memref<128x128xf32, #tpu.memory_space<vmem_shared>>
      %dma_start3A_66 = arith.constant 0 : i32
      %dma_start3A_67 = tpu.memref_slice %arg13[%add3A_29, %dma_start3A_66] : memref<10240x128xf32, #tpu.memory_space<vmem_shared>> -> memref<128x128xf32, #tpu.memory_space<vmem_shared>>
      tpu.enqueue_dma source(%arg10 : memref<128x128xf32, #tpu.memory_space<vmem>>) target(%dma_start3A_67 : memref<128x128xf32, #tpu.memory_space<vmem_shared>>) target_semaphore(%run_scoped3A : memref<!tpu.dma_semaphore, #tpu.memory_space<semaphore_mem>>)
      %dma_wait3A = arith.constant 0 : i32
      %dma_wait3A_68 = tpu.memref_slice %arg13[%add3A_29, %dma_wait3A] : memref<10240x128xf32, #tpu.memory_space<vmem_shared>> -> memref<128x128xf32, #tpu.memory_space<vmem_shared>>
      %dma_wait3A_69 = arith.constant 0 : i32
      %dma_wait3A_70 = tpu.memref_slice %arg13[%add3A_29, %dma_wait3A_69] : memref<10240x128xf32, #tpu.memory_space<vmem_shared>> -> memref<128x128xf32, #tpu.memory_space<vmem_shared>>
      tpu.wait_dma2 semaphore(%run_scoped3A : memref<!tpu.dma_semaphore, #tpu.memory_space<semaphore_mem>>) src(%arg10 : memref<128x128xf32, #tpu.memory_space<vmem>>) dst(%dma_wait3A_70 : memref<128x128xf32, #tpu.memory_space<vmem_shared>>)
      tpu.yield
    }) : () -> ()
    %mul3A_30 = arith.constant 640 : i32
    %mul3A_31 = arith.muli %arg1, %mul3A_30 : i32
    %add3A_32 = arith.constant 512 : i32
    %add3A_33 = arith.addi %mul3A_31, %add3A_32 : i32
    "tpu.region"() ({
      %run_scoped3A = tpu.sem_alloc : memref<!tpu.dma_semaphore, #tpu.memory_space<semaphore_mem>>
      %dma_start3A = arith.constant 0 : i32
      %dma_start3A_65 = tpu.memref_slice %arg13[%add3A_33, %dma_start3A] : memref<10240x128xf32, #tpu.memory_space<vmem_shared>> -> memref<128x128xf32, #tpu.memory_space<vmem_shared>>
      %dma_start3A_66 = arith.constant 0 : i32
      %dma_start3A_67 = tpu.memref_slice %arg13[%add3A_33, %dma_start3A_66] : memref<10240x128xf32, #tpu.memory_space<vmem_shared>> -> memref<128x128xf32, #tpu.memory_space<vmem_shared>>
      tpu.enqueue_dma source(%arg10 : memref<128x128xf32, #tpu.memory_space<vmem>>) target(%dma_start3A_67 : memref<128x128xf32, #tpu.memory_space<vmem_shared>>) target_semaphore(%run_scoped3A : memref<!tpu.dma_semaphore, #tpu.memory_space<semaphore_mem>>)
      %dma_wait3A = arith.constant 0 : i32
      %dma_wait3A_68 = tpu.memref_slice %arg13[%add3A_33, %dma_wait3A] : memref<10240x128xf32, #tpu.memory_space<vmem_shared>> -> memref<128x128xf32, #tpu.memory_space<vmem_shared>>
      %dma_wait3A_69 = arith.constant 0 : i32
      %dma_wait3A_70 = tpu.memref_slice %arg13[%add3A_33, %dma_wait3A_69] : memref<10240x128xf32, #tpu.memory_space<vmem_shared>> -> memref<128x128xf32, #tpu.memory_space<vmem_shared>>
      tpu.wait_dma2 semaphore(%run_scoped3A : memref<!tpu.dma_semaphore, #tpu.memory_space<semaphore_mem>>) src(%arg10 : memref<128x128xf32, #tpu.memory_space<vmem>>) dst(%dma_wait3A_70 : memref<128x128xf32, #tpu.memory_space<vmem_shared>>)
      tpu.yield
    }) : () -> ()
    %lt3A = arith.constant 10 : i32
    %lt3A_34 = arith.cmpi slt, %arg1, %lt3A : i32
    %convert_element_type3A = arith.extui %lt3A_34 : i1 to i32
    %cond3A = arith.constant 0 : i32
    %cond3A_35 = arith.cmpi ne, %convert_element_type3A, %cond3A : i32
    scf.if %cond3A_35 {
      %mul3A_65 = arith.constant 8 : i32
      %mul3A_66 = arith.muli %arg1, %mul3A_65 : i32
      "tpu.region"() ({
        %run_scoped3A = tpu.sem_alloc : memref<!tpu.dma_semaphore, #tpu.memory_space<semaphore_mem>>
        %dma_start3A = arith.constant 0 : i32
        %dma_start3A_67 = arith.constant 0 : i32
        %dma_start3A_68 = tpu.memref_slice %arg10[%dma_start3A, %dma_start3A_67] : memref<128x128xf32, #tpu.memory_space<vmem>> -> memref<8x128xf32, #tpu.memory_space<vmem>>
        %dma_start3A_69 = arith.constant 0 : i32
        %dma_start3A_70 = tpu.memref_slice %arg14[%mul3A_66, %dma_start3A_69] : memref<80x128xf32, #tpu.memory_space<vmem_shared>> -> memref<8x128xf32, #tpu.memory_space<vmem_shared>>
        %dma_start3A_71 = arith.constant 0 : i32
        %dma_start3A_72 = tpu.memref_slice %arg14[%mul3A_66, %dma_start3A_71] : memref<80x128xf32, #tpu.memory_space<vmem_shared>> -> memref<8x128xf32, #tpu.memory_space<vmem_shared>>
        %dma_start3A_73 = arith.constant 0 : i32
        %dma_start3A_74 = arith.constant 0 : i32
        %dma_start3A_75 = tpu.memref_slice %arg10[%dma_start3A_73, %dma_start3A_74] : memref<128x128xf32, #tpu.memory_space<vmem>> -> memref<8x128xf32, #tpu.memory_space<vmem>>
        tpu.enqueue_dma source(%dma_start3A_75 : memref<8x128xf32, #tpu.memory_space<vmem>>) target(%dma_start3A_72 : memref<8x128xf32, #tpu.memory_space<vmem_shared>>) target_semaphore(%run_scoped3A : memref<!tpu.dma_semaphore, #tpu.memory_space<semaphore_mem>>)
        %dma_wait3A = arith.constant 0 : i32
        %dma_wait3A_76 = arith.constant 0 : i32
        %dma_wait3A_77 = tpu.memref_slice %arg10[%dma_wait3A, %dma_wait3A_76] : memref<128x128xf32, #tpu.memory_space<vmem>> -> memref<8x128xf32, #tpu.memory_space<vmem>>
        %dma_wait3A_78 = arith.constant 0 : i32
        %dma_wait3A_79 = tpu.memref_slice %arg14[%mul3A_66, %dma_wait3A_78] : memref<80x128xf32, #tpu.memory_space<vmem_shared>> -> memref<8x128xf32, #tpu.memory_space<vmem_shared>>
        %dma_wait3A_80 = arith.constant 0 : i32
        %dma_wait3A_81 = tpu.memref_slice %arg14[%mul3A_66, %dma_wait3A_80] : memref<80x128xf32, #tpu.memory_space<vmem_shared>> -> memref<8x128xf32, #tpu.memory_space<vmem_shared>>
        %dma_wait3A_82 = arith.constant 0 : i32
        %dma_wait3A_83 = arith.constant 0 : i32
        %dma_wait3A_84 = tpu.memref_slice %arg10[%dma_wait3A_82, %dma_wait3A_83] : memref<128x128xf32, #tpu.memory_space<vmem>> -> memref<8x128xf32, #tpu.memory_space<vmem>>
        tpu.wait_dma2 semaphore(%run_scoped3A : memref<!tpu.dma_semaphore, #tpu.memory_space<semaphore_mem>>) src(%dma_wait3A_84 : memref<8x128xf32, #tpu.memory_space<vmem>>) dst(%dma_wait3A_81 : memref<8x128xf32, #tpu.memory_space<vmem_shared>>)
        tpu.yield
      }) : () -> ()
    } else {
    }
    %barrier3A = arith.constant 0 : index
    tpu.barrier barrier_id(%barrier3A)
    "tpu.region"() ({
      %run_scoped3A = tpu.sem_alloc : memref<!tpu.dma_semaphore, #tpu.memory_space<semaphore_mem>>
      %dma_start3A = arith.constant 0 : i32
      %dma_start3A_65 = arith.constant 0 : i32
      %dma_start3A_66 = tpu.memref_slice %arg3[%add3A, %dma_start3A, %dma_start3A_65] : memref<32x79x128xi32, #tpu.memory_space<hbm>> -> memref<1x79x128xi32, #tpu.memory_space<hbm>>
      %dma_start3A_67 = tpu.memref_squeeze %dma_start3A_66 : memref<1x79x128xi32, #tpu.memory_space<hbm>> -> memref<79x128xi32, #tpu.memory_space<hbm>>
      %dma_start3A_68 = arith.constant 0 : i32
      %dma_start3A_69 = arith.constant 0 : i32
      %dma_start3A_70 = tpu.memref_slice %arg3[%add3A, %dma_start3A_68, %dma_start3A_69] : memref<32x79x128xi32, #tpu.memory_space<hbm>> -> memref<1x79x128xi32, #tpu.memory_space<hbm>>
      %dma_start3A_71 = tpu.memref_squeeze %dma_start3A_70 : memref<1x79x128xi32, #tpu.memory_space<hbm>> -> memref<79x128xi32, #tpu.memory_space<hbm>>
      tpu.enqueue_dma source(%dma_start3A_71 : memref<79x128xi32, #tpu.memory_space<hbm>>) target(%arg8 : memref<79x128xi32, #tpu.memory_space<vmem>>) target_semaphore(%run_scoped3A : memref<!tpu.dma_semaphore, #tpu.memory_space<semaphore_mem>>)
      %dma_wait3A = arith.constant 0 : i32
      %dma_wait3A_72 = arith.constant 0 : i32
      %dma_wait3A_73 = tpu.memref_slice %arg3[%add3A, %dma_wait3A, %dma_wait3A_72] : memref<32x79x128xi32, #tpu.memory_space<hbm>> -> memref<1x79x128xi32, #tpu.memory_space<hbm>>
      %dma_wait3A_74 = tpu.memref_squeeze %dma_wait3A_73 : memref<1x79x128xi32, #tpu.memory_space<hbm>> -> memref<79x128xi32, #tpu.memory_space<hbm>>
      %dma_wait3A_75 = arith.constant 0 : i32
      %dma_wait3A_76 = arith.constant 0 : i32
      %dma_wait3A_77 = tpu.memref_slice %arg3[%add3A, %dma_wait3A_75, %dma_wait3A_76] : memref<32x79x128xi32, #tpu.memory_space<hbm>> -> memref<1x79x128xi32, #tpu.memory_space<hbm>>
      %dma_wait3A_78 = tpu.memref_squeeze %dma_wait3A_77 : memref<1x79x128xi32, #tpu.memory_space<hbm>> -> memref<79x128xi32, #tpu.memory_space<hbm>>
      tpu.wait_dma2 semaphore(%run_scoped3A : memref<!tpu.dma_semaphore, #tpu.memory_space<semaphore_mem>>) src(%dma_wait3A_78 : memref<79x128xi32, #tpu.memory_space<hbm>>) dst(%arg8 : memref<79x128xi32, #tpu.memory_space<vmem>>)
      tpu.yield
    }) : () -> ()
    "tpu.region"() ({
      %run_scoped3A = tpu.sem_alloc : memref<!tpu.dma_semaphore, #tpu.memory_space<semaphore_mem>>
      %dma_start3A = arith.constant 0 : i32
      %dma_start3A_65 = arith.constant 0 : i32
      %dma_start3A_66 = tpu.memref_slice %arg4[%add3A, %dma_start3A, %dma_start3A_65] : memref<32x79x128xi32, #tpu.memory_space<hbm>> -> memref<1x79x128xi32, #tpu.memory_space<hbm>>
      %dma_start3A_67 = tpu.memref_squeeze %dma_start3A_66 : memref<1x79x128xi32, #tpu.memory_space<hbm>> -> memref<79x128xi32, #tpu.memory_space<hbm>>
      %dma_start3A_68 = arith.constant 0 : i32
      %dma_start3A_69 = arith.constant 0 : i32
      %dma_start3A_70 = tpu.memref_slice %arg4[%add3A, %dma_start3A_68, %dma_start3A_69] : memref<32x79x128xi32, #tpu.memory_space<hbm>> -> memref<1x79x128xi32, #tpu.memory_space<hbm>>
      %dma_start3A_71 = tpu.memref_squeeze %dma_start3A_70 : memref<1x79x128xi32, #tpu.memory_space<hbm>> -> memref<79x128xi32, #tpu.memory_space<hbm>>
      tpu.enqueue_dma source(%dma_start3A_71 : memref<79x128xi32, #tpu.memory_space<hbm>>) target(%arg9 : memref<79x128xi32, #tpu.memory_space<vmem>>) target_semaphore(%run_scoped3A : memref<!tpu.dma_semaphore, #tpu.memory_space<semaphore_mem>>)
      %dma_wait3A = arith.constant 0 : i32
      %dma_wait3A_72 = arith.constant 0 : i32
      %dma_wait3A_73 = tpu.memref_slice %arg4[%add3A, %dma_wait3A, %dma_wait3A_72] : memref<32x79x128xi32, #tpu.memory_space<hbm>> -> memref<1x79x128xi32, #tpu.memory_space<hbm>>
      %dma_wait3A_74 = tpu.memref_squeeze %dma_wait3A_73 : memref<1x79x128xi32, #tpu.memory_space<hbm>> -> memref<79x128xi32, #tpu.memory_space<hbm>>
      %dma_wait3A_75 = arith.constant 0 : i32
      %dma_wait3A_76 = arith.constant 0 : i32
      %dma_wait3A_77 = tpu.memref_slice %arg4[%add3A, %dma_wait3A_75, %dma_wait3A_76] : memref<32x79x128xi32, #tpu.memory_space<hbm>> -> memref<1x79x128xi32, #tpu.memory_space<hbm>>
      %dma_wait3A_78 = tpu.memref_squeeze %dma_wait3A_77 : memref<1x79x128xi32, #tpu.memory_space<hbm>> -> memref<79x128xi32, #tpu.memory_space<hbm>>
      tpu.wait_dma2 semaphore(%run_scoped3A : memref<!tpu.dma_semaphore, #tpu.memory_space<semaphore_mem>>) src(%dma_wait3A_78 : memref<79x128xi32, #tpu.memory_space<hbm>>) dst(%arg9 : memref<79x128xi32, #tpu.memory_space<vmem>>)
      tpu.yield
    }) : () -> ()
    "tpu.region"() ({
      %run_scoped3A = tpu.sem_alloc : memref<!tpu.dma_semaphore, #tpu.memory_space<semaphore_mem>>
      tpu.enqueue_dma source(%arg5 : memref<80xi32, #tpu.memory_space<hbm>>) target(%arg12 : memref<80xi32, #tpu.memory_space<vmem>>) target_semaphore(%run_scoped3A : memref<!tpu.dma_semaphore, #tpu.memory_space<semaphore_mem>>)
      tpu.wait_dma2 semaphore(%run_scoped3A : memref<!tpu.dma_semaphore, #tpu.memory_space<semaphore_mem>>) src(%arg5 : memref<80xi32, #tpu.memory_space<hbm>>) dst(%arg12 : memref<80xi32, #tpu.memory_space<vmem>>)
      tpu.yield
    }) : () -> ()
    %get3A = arith.constant 0 : index
    %get3A_36 = tpu.vector_load %arg12[%get3A] {strides = array<i32>} : memref<80xi32, #tpu.memory_space<vmem>>, vector<16xi32>,
    %broadcast_in_dim3A = arith.constant true
    %broadcast_in_dim3A_37 = vector.broadcast %broadcast_in_dim3A : i1 to vector<16xi1>
    %unique3A, %unique3A_38 = tpu.scan_count mask(%broadcast_in_dim3A_37 : vector<16xi1>) value(%get3A_36 : vector<16xi32>) : vector<16xi1>, vector<16xi32>
    %reduce_max3A = arith.constant true
    %reduce_max3A_39 = vector.broadcast %reduce_max3A : i1 to vector<16xi1>
    %reduce_max3A_40 = arith.constant -2147483648 : i32
    %reduce_max3A_41 = vector.broadcast %reduce_max3A_40 : i32 to vector<16xi32>
    %reduce_max3A_42 = arith.xori %unique3A_38, %reduce_max3A_41 : vector<16xi32>
    %reduce_max3A_43 = tpu.scan <max>, %reduce_max3A_42 masked %reduce_max3A_39 : vector<16xi32>, vector<16xi1> -> vector<16xi32>
    %reduce_max3A_44 = arith.xori %reduce_max3A_43, %reduce_max3A_41 : vector<16xi32>
    %reduce_max3A_45 = vector.extract %reduce_max3A_44[15] : i32 from vector<16xi32>
    %sub3A = arith.constant 1 : i32
    %sub3A_46 = arith.subi %sub3A, %reduce_max3A_45 : i32
    %scan3A_47 = arith.constant 0 : i32
    %scan3A_48 = arith.constant 0 : i32
    %scan3A_49 = arith.constant 79 : i32
    %scan3A_50 = arith.addi %scan3A_48, %scan3A_49 : i32
    %scan3A_51 = arith.constant 1 : i32
    %scan3A_52 = scf.for %scan3A_65 = %scan3A_48 to %scan3A_50 step %scan3A_51 iter_args(%scan3A_66 = %scan3A_47) -> (i32)  : i32 {
      %dma_start3A = arith.constant 0 : i32
      %dma_start3A_67 = tpu.memref_slice %arg8[%scan3A_65, %dma_start3A] : memref<79x128xi32, #tpu.memory_space<vmem>> -> memref<1x128xi32, #tpu.memory_space<vmem>>
      %dma_start3A_68 = tpu.memref_squeeze %dma_start3A_67 : memref<1x128xi32, #tpu.memory_space<vmem>> -> memref<128xi32, #tpu.memory_space<vmem>>
      %dma_start3A_69 = arith.constant 0 : i32
      %dma_start3A_70 = arith.constant 0 : i32
      %dma_start3A_71 = tpu.memref_slice %arg2[%dma_start3A_69, %dma_start3A_70] : memref<10000x128xf32, #tpu.memory_space<hbm>> -> memref<10000x128xf32, #tpu.memory_space<hbm>>
      tpu.enqueue_indirect_dma source(%dma_start3A_71 : memref<10000x128xf32, #tpu.memory_space<hbm>>) target(%arg10 : memref<128x128xf32, #tpu.memory_space<vmem>>) offsets(%dma_start3A_68 : memref<128xi32, #tpu.memory_space<vmem>>) semaphore(%arg15 : memref<!tpu.dma_semaphore, #tpu.memory_space<semaphore_mem>>)
      %get3A_72 = arith.index_cast %scan3A_65 : i32 to index
      %get3A_73 = arith.constant 0 : index
      %get3A_74 = tpu.vector_load %arg9[%get3A_72, %get3A_73] {strides = array<i32>} : memref<79x128xi32, #tpu.memory_space<vmem>>, vector<16xi32>,
      %broadcast_in_dim3A_75 = arith.constant true
      %broadcast_in_dim3A_76 = vector.broadcast %broadcast_in_dim3A_75 : i1 to vector<16xi1>
      %unique3A_77, %unique3A_78 = tpu.scan_count mask(%broadcast_in_dim3A_76 : vector<16xi1>) value(%get3A_74 : vector<16xi32>) : vector<16xi1>, vector<16xi32>
      %add3A_79 = vector.broadcast %sub3A_46 : i32 to vector<16xi32>
      %add3A_80 = arith.addi %unique3A_78, %add3A_79 : vector<16xi32>
      %convert_element_type3A_81 = arith.sitofp %add3A_80 : vector<16xi32> to vector<16xf32>
      %shift_right_logical3A = arith.constant 7 : i32
      %shift_right_logical3A_82 = vector.broadcast %shift_right_logical3A : i32 to vector<16xi32>
      %shift_right_logical3A_83 = arith.shrui %get3A_74, %shift_right_logical3A_82 : vector<16xi32>
      %and3A = arith.constant 127 : i32
      %and3A_84 = vector.broadcast %and3A : i32 to vector<16xi32>
      %and3A_85 = arith.andi %get3A_74, %and3A_84 : vector<16xi32>
      tpu.vector_store_idx %arg11[%shift_right_logical3A_83, %and3A_85], %convert_element_type3A_81 masked %unique3A_77 {add = true} : memref<80x128xf32, #tpu.memory_space<vmem>>[vector<16xi32>, vector<16xi32>], vector<16xf32>, vector<16xi1>
      %get3A_86 = arith.index_cast %scan3A_65 : i32 to index
      %get3A_87 = arith.constant 16 : index
      %get3A_88 = tpu.vector_load %arg9[%get3A_86, %get3A_87] {strides = array<i32>} : memref<79x128xi32, #tpu.memory_space<vmem>>, vector<16xi32>,
      %broadcast_in_dim3A_89 = arith.constant true
      %broadcast_in_dim3A_90 = vector.broadcast %broadcast_in_dim3A_89 : i1 to vector<16xi1>
      %unique3A_91, %unique3A_92 = tpu.scan_count mask(%broadcast_in_dim3A_90 : vector<16xi1>) value(%get3A_88 : vector<16xi32>) : vector<16xi1>, vector<16xi32>
      %add3A_93 = vector.broadcast %sub3A_46 : i32 to vector<16xi32>
      %add3A_94 = arith.addi %unique3A_92, %add3A_93 : vector<16xi32>
      %convert_element_type3A_95 = arith.sitofp %add3A_94 : vector<16xi32> to vector<16xf32>
      %shift_right_logical3A_96 = arith.constant 7 : i32
      %shift_right_logical3A_97 = vector.broadcast %shift_right_logical3A_96 : i32 to vector<16xi32>
      %shift_right_logical3A_98 = arith.shrui %get3A_88, %shift_right_logical3A_97 : vector<16xi32>
      %and3A_99 = arith.constant 127 : i32
      %and3A_100 = vector.broadcast %and3A_99 : i32 to vector<16xi32>
      %and3A_101 = arith.andi %get3A_88, %and3A_100 : vector<16xi32>
      tpu.vector_store_idx %arg11[%shift_right_logical3A_98, %and3A_101], %convert_element_type3A_95 masked %unique3A_91 {add = true} : memref<80x128xf32, #tpu.memory_space<vmem>>[vector<16xi32>, vector<16xi32>], vector<16xf32>, vector<16xi1>
      %get3A_102 = arith.index_cast %scan3A_65 : i32 to index
      %get3A_103 = arith.constant 32 : index
      %get3A_104 = tpu.vector_load %arg9[%get3A_102, %get3A_103] {strides = array<i32>} : memref<79x128xi32, #tpu.memory_space<vmem>>, vector<16xi32>,
      %broadcast_in_dim3A_105 = arith.constant true
      %broadcast_in_dim3A_106 = vector.broadcast %broadcast_in_dim3A_105 : i1 to vector<16xi1>
      %unique3A_107, %unique3A_108 = tpu.scan_count mask(%broadcast_in_dim3A_106 : vector<16xi1>) value(%get3A_104 : vector<16xi32>) : vector<16xi1>, vector<16xi32>
      %add3A_109 = vector.broadcast %sub3A_46 : i32 to vector<16xi32>
      %add3A_110 = arith.addi %unique3A_108, %add3A_109 : vector<16xi32>
      %convert_element_type3A_111 = arith.sitofp %add3A_110 : vector<16xi32> to vector<16xf32>
      %shift_right_logical3A_112 = arith.constant 7 : i32
      %shift_right_logical3A_113 = vector.broadcast %shift_right_logical3A_112 : i32 to vector<16xi32>
      %shift_right_logical3A_114 = arith.shrui %get3A_104, %shift_right_logical3A_113 : vector<16xi32>
      %and3A_115 = arith.constant 127 : i32
      %and3A_116 = vector.broadcast %and3A_115 : i32 to vector<16xi32>
      %and3A_117 = arith.andi %get3A_104, %and3A_116 : vector<16xi32>
      tpu.vector_store_idx %arg11[%shift_right_logical3A_114, %and3A_117], %convert_element_type3A_111 masked %unique3A_107 {add = true} : memref<80x128xf32, #tpu.memory_space<vmem>>[vector<16xi32>, vector<16xi32>], vector<16xf32>, vector<16xi1>
      %get3A_118 = arith.index_cast %scan3A_65 : i32 to index
      %get3A_119 = arith.constant 48 : index
      %get3A_120 = tpu.vector_load %arg9[%get3A_118, %get3A_119] {strides = array<i32>} : memref<79x128xi32, #tpu.memory_space<vmem>>, vector<16xi32>,
      %broadcast_in_dim3A_121 = arith.constant true
      %broadcast_in_dim3A_122 = vector.broadcast %broadcast_in_dim3A_121 : i1 to vector<16xi1>
      %unique3A_123, %unique3A_124 = tpu.scan_count mask(%broadcast_in_dim3A_122 : vector<16xi1>) value(%get3A_120 : vector<16xi32>) : vector<16xi1>, vector<16xi32>
      %add3A_125 = vector.broadcast %sub3A_46 : i32 to vector<16xi32>
      %add3A_126 = arith.addi %unique3A_124, %add3A_125 : vector<16xi32>
      %convert_element_type3A_127 = arith.sitofp %add3A_126 : vector<16xi32> to vector<16xf32>
      %shift_right_logical3A_128 = arith.constant 7 : i32
      %shift_right_logical3A_129 = vector.broadcast %shift_right_logical3A_128 : i32 to vector<16xi32>
      %shift_right_logical3A_130 = arith.shrui %get3A_120, %shift_right_logical3A_129 : vector<16xi32>
      %and3A_131 = arith.constant 127 : i32
      %and3A_132 = vector.broadcast %and3A_131 : i32 to vector<16xi32>
      %and3A_133 = arith.andi %get3A_120, %and3A_132 : vector<16xi32>
      tpu.vector_store_idx %arg11[%shift_right_logical3A_130, %and3A_133], %convert_element_type3A_127 masked %unique3A_123 {add = true} : memref<80x128xf32, #tpu.memory_space<vmem>>[vector<16xi32>, vector<16xi32>], vector<16xf32>, vector<16xi1>
      %get3A_134 = arith.index_cast %scan3A_65 : i32 to index
      %get3A_135 = arith.constant 64 : index
      %get3A_136 = tpu.vector_load %arg9[%get3A_134, %get3A_135] {strides = array<i32>} : memref<79x128xi32, #tpu.memory_space<vmem>>, vector<16xi32>,
      %broadcast_in_dim3A_137 = arith.constant true
      %broadcast_in_dim3A_138 = vector.broadcast %broadcast_in_dim3A_137 : i1 to vector<16xi1>
      %unique3A_139, %unique3A_140 = tpu.scan_count mask(%broadcast_in_dim3A_138 : vector<16xi1>) value(%get3A_136 : vector<16xi32>) : vector<16xi1>, vector<16xi32>
      %add3A_141 = vector.broadcast %sub3A_46 : i32 to vector<16xi32>
      %add3A_142 = arith.addi %unique3A_140, %add3A_141 : vector<16xi32>
      %convert_element_type3A_143 = arith.sitofp %add3A_142 : vector<16xi32> to vector<16xf32>
      %shift_right_logical3A_144 = arith.constant 7 : i32
      %shift_right_logical3A_145 = vector.broadcast %shift_right_logical3A_144 : i32 to vector<16xi32>
      %shift_right_logical3A_146 = arith.shrui %get3A_136, %shift_right_logical3A_145 : vector<16xi32>
      %and3A_147 = arith.constant 127 : i32
      %and3A_148 = vector.broadcast %and3A_147 : i32 to vector<16xi32>
      %and3A_149 = arith.andi %get3A_136, %and3A_148 : vector<16xi32>
      tpu.vector_store_idx %arg11[%shift_right_logical3A_146, %and3A_149], %convert_element_type3A_143 masked %unique3A_139 {add = true} : memref<80x128xf32, #tpu.memory_space<vmem>>[vector<16xi32>, vector<16xi32>], vector<16xf32>, vector<16xi1>
      %get3A_150 = arith.index_cast %scan3A_65 : i32 to index
      %get3A_151 = arith.constant 80 : index
      %get3A_152 = tpu.vector_load %arg9[%get3A_150, %get3A_151] {strides = array<i32>} : memref<79x128xi32, #tpu.memory_space<vmem>>, vector<16xi32>,
      %broadcast_in_dim3A_153 = arith.constant true
      %broadcast_in_dim3A_154 = vector.broadcast %broadcast_in_dim3A_153 : i1 to vector<16xi1>
      %unique3A_155, %unique3A_156 = tpu.scan_count mask(%broadcast_in_dim3A_154 : vector<16xi1>) value(%get3A_152 : vector<16xi32>) : vector<16xi1>, vector<16xi32>
      %add3A_157 = vector.broadcast %sub3A_46 : i32 to vector<16xi32>
      %add3A_158 = arith.addi %unique3A_156, %add3A_157 : vector<16xi32>
      %convert_element_type3A_159 = arith.sitofp %add3A_158 : vector<16xi32> to vector<16xf32>
      %shift_right_logical3A_160 = arith.constant 7 : i32
      %shift_right_logical3A_161 = vector.broadcast %shift_right_logical3A_160 : i32 to vector<16xi32>
      %shift_right_logical3A_162 = arith.shrui %get3A_152, %shift_right_logical3A_161 : vector<16xi32>
      %and3A_163 = arith.constant 127 : i32
      %and3A_164 = vector.broadcast %and3A_163 : i32 to vector<16xi32>
      %and3A_165 = arith.andi %get3A_152, %and3A_164 : vector<16xi32>
      tpu.vector_store_idx %arg11[%shift_right_logical3A_162, %and3A_165], %convert_element_type3A_159 masked %unique3A_155 {add = true} : memref<80x128xf32, #tpu.memory_space<vmem>>[vector<16xi32>, vector<16xi32>], vector<16xf32>, vector<16xi1>
      %get3A_166 = arith.index_cast %scan3A_65 : i32 to index
      %get3A_167 = arith.constant 96 : index
      %get3A_168 = tpu.vector_load %arg9[%get3A_166, %get3A_167] {strides = array<i32>} : memref<79x128xi32, #tpu.memory_space<vmem>>, vector<16xi32>,
      %broadcast_in_dim3A_169 = arith.constant true
      %broadcast_in_dim3A_170 = vector.broadcast %broadcast_in_dim3A_169 : i1 to vector<16xi1>
      %unique3A_171, %unique3A_172 = tpu.scan_count mask(%broadcast_in_dim3A_170 : vector<16xi1>) value(%get3A_168 : vector<16xi32>) : vector<16xi1>, vector<16xi32>
      %add3A_173 = vector.broadcast %sub3A_46 : i32 to vector<16xi32>
      %add3A_174 = arith.addi %unique3A_172, %add3A_173 : vector<16xi32>
      %convert_element_type3A_175 = arith.sitofp %add3A_174 : vector<16xi32> to vector<16xf32>
      %shift_right_logical3A_176 = arith.constant 7 : i32
      %shift_right_logical3A_177 = vector.broadcast %shift_right_logical3A_176 : i32 to vector<16xi32>
      %shift_right_logical3A_178 = arith.shrui %get3A_168, %shift_right_logical3A_177 : vector<16xi32>
      %and3A_179 = arith.constant 127 : i32
      %and3A_180 = vector.broadcast %and3A_179 : i32 to vector<16xi32>
      %and3A_181 = arith.andi %get3A_168, %and3A_180 : vector<16xi32>
      tpu.vector_store_idx %arg11[%shift_right_logical3A_178, %and3A_181], %convert_element_type3A_175 masked %unique3A_171 {add = true} : memref<80x128xf32, #tpu.memory_space<vmem>>[vector<16xi32>, vector<16xi32>], vector<16xf32>, vector<16xi1>
      %get3A_182 = arith.index_cast %scan3A_65 : i32 to index
      %get3A_183 = arith.constant 112 : index
      %get3A_184 = tpu.vector_load %arg9[%get3A_182, %get3A_183] {strides = array<i32>} : memref<79x128xi32, #tpu.memory_space<vmem>>, vector<16xi32>,
      %broadcast_in_dim3A_185 = arith.constant true
      %broadcast_in_dim3A_186 = vector.broadcast %broadcast_in_dim3A_185 : i1 to vector<16xi1>
      %unique3A_187, %unique3A_188 = tpu.scan_count mask(%broadcast_in_dim3A_186 : vector<16xi1>) value(%get3A_184 : vector<16xi32>) : vector<16xi1>, vector<16xi32>
      %add3A_189 = vector.broadcast %sub3A_46 : i32 to vector<16xi32>
      %add3A_190 = arith.addi %unique3A_188, %add3A_189 : vector<16xi32>
      %convert_element_type3A_191 = arith.sitofp %add3A_190 : vector<16xi32> to vector<16xf32>
      %shift_right_logical3A_192 = arith.constant 7 : i32
      %shift_right_logical3A_193 = vector.broadcast %shift_right_logical3A_192 : i32 to vector<16xi32>
      %shift_right_logical3A_194 = arith.shrui %get3A_184, %shift_right_logical3A_193 : vector<16xi32>
      %and3A_195 = arith.constant 127 : i32
      %and3A_196 = vector.broadcast %and3A_195 : i32 to vector<16xi32>
      %and3A_197 = arith.andi %get3A_184, %and3A_196 : vector<16xi32>
      tpu.vector_store_idx %arg11[%shift_right_logical3A_194, %and3A_197], %convert_element_type3A_191 masked %unique3A_187 {add = true} : memref<80x128xf32, #tpu.memory_space<vmem>>[vector<16xi32>, vector<16xi32>], vector<16xf32>, vector<16xi1>
      %dma_wait3A = arith.constant 0 : i32
      %dma_wait3A_198 = tpu.memref_slice %arg8[%scan3A_65, %dma_wait3A] : memref<79x128xi32, #tpu.memory_space<vmem>> -> memref<1x128xi32, #tpu.memory_space<vmem>>
      %dma_wait3A_199 = tpu.memref_squeeze %dma_wait3A_198 : memref<1x128xi32, #tpu.memory_space<vmem>> -> memref<128xi32, #tpu.memory_space<vmem>>
      %dma_wait3A_200 = arith.constant 0 : i32
      %dma_wait3A_201 = arith.constant 0 : i32
      %dma_wait3A_202 = tpu.memref_slice %arg2[%dma_wait3A_200, %dma_wait3A_201] : memref<10000x128xf32, #tpu.memory_space<hbm>> -> memref<10000x128xf32, #tpu.memory_space<hbm>>
      tpu.wait_indirect_dma semaphore(%arg15 : memref<!tpu.dma_semaphore, #tpu.memory_space<semaphore_mem>>) src(%dma_wait3A_202 : memref<10000x128xf32, #tpu.memory_space<hbm>>) dst(%arg10 : memref<128x128xf32, #tpu.memory_space<vmem>>)
      "tpu.region"() ({
        %run_scoped3A = tpu.sem_alloc : memref<!tpu.dma_semaphore, #tpu.memory_space<semaphore_mem>>
        %dma_start3A_204 = arith.constant 0 : i32
        %dma_start3A_205 = tpu.memref_slice %arg9[%scan3A_65, %dma_start3A_204] : memref<79x128xi32, #tpu.memory_space<vmem>> -> memref<1x128xi32, #tpu.memory_space<vmem>>
        %dma_start3A_206 = tpu.memref_squeeze %dma_start3A_205 : memref<1x128xi32, #tpu.memory_space<vmem>> -> memref<128xi32, #tpu.memory_space<vmem>>
        %dma_start3A_207 = arith.constant 0 : i32
        %dma_start3A_208 = arith.constant 0 : i32
        %dma_start3A_209 = tpu.memref_slice %arg13[%dma_start3A_207, %dma_start3A_208] : memref<10240x128xf32, #tpu.memory_space<vmem_shared>> -> memref<10240x128xf32, #tpu.memory_space<vmem_shared>>
        tpu.enqueue_indirect_dma source(%arg10 : memref<128x128xf32, #tpu.memory_space<vmem>>) target(%dma_start3A_209 : memref<10240x128xf32, #tpu.memory_space<vmem_shared>>) offsets(%dma_start3A_206 : memref<128xi32, #tpu.memory_space<vmem>>) semaphore(%run_scoped3A : memref<!tpu.dma_semaphore, #tpu.memory_space<semaphore_mem>>) {add = true}
        %dma_wait3A_210 = arith.constant 0 : i32
        %dma_wait3A_211 = tpu.memref_slice %arg9[%scan3A_65, %dma_wait3A_210] : memref<79x128xi32, #tpu.memory_space<vmem>> -> memref<1x128xi32, #tpu.memory_space<vmem>>
        %dma_wait3A_212 = tpu.memref_squeeze %dma_wait3A_211 : memref<1x128xi32, #tpu.memory_space<vmem>> -> memref<128xi32, #tpu.memory_space<vmem>>
        %dma_wait3A_213 = arith.constant 0 : i32
        %dma_wait3A_214 = arith.constant 0 : i32
        %dma_wait3A_215 = tpu.memref_slice %arg13[%dma_wait3A_213, %dma_wait3A_214] : memref<10240x128xf32, #tpu.memory_space<vmem_shared>> -> memref<10240x128xf32, #tpu.memory_space<vmem_shared>>
        tpu.wait_indirect_dma semaphore(%run_scoped3A : memref<!tpu.dma_semaphore, #tpu.memory_space<semaphore_mem>>) src(%arg10 : memref<128x128xf32, #tpu.memory_space<vmem>>) dst(%dma_wait3A_215 : memref<10240x128xf32, #tpu.memory_space<vmem_shared>>)
        tpu.yield
      }) : () -> ()
      %scan3A_203 = arith.constant 0 : i32
      scf.yield %scan3A_203 : i32
    }
    %scan3A_53 = arith.constant 79 : i32
    %barrier3A_54 = arith.constant 0 : index
    tpu.barrier barrier_id(%barrier3A_54)
    "tpu.region"() ({
      %run_scoped3A = tpu.sem_alloc : memref<!tpu.dma_semaphore, #tpu.memory_space<semaphore_mem>>
      %dma_start3A = arith.constant 0 : i32
      %dma_start3A_65 = arith.constant 0 : i32
      %dma_start3A_66 = tpu.memref_slice %arg14[%dma_start3A, %dma_start3A_65] : memref<80x128xf32, #tpu.memory_space<vmem_shared>> -> memref<80x128xf32, #tpu.memory_space<vmem_shared>>
      tpu.enqueue_indirect_dma source(%arg11 : memref<80x128xf32, #tpu.memory_space<vmem>>) target(%dma_start3A_66 : memref<80x128xf32, #tpu.memory_space<vmem_shared>>) offsets(%arg12 : memref<80xi32, #tpu.memory_space<vmem>>) semaphore(%run_scoped3A : memref<!tpu.dma_semaphore, #tpu.memory_space<semaphore_mem>>) {add = true}
      %dma_wait3A = arith.constant 0 : i32
      %dma_wait3A_67 = arith.constant 0 : i32
      %dma_wait3A_68 = tpu.memref_slice %arg14[%dma_wait3A, %dma_wait3A_67] : memref<80x128xf32, #tpu.memory_space<vmem_shared>> -> memref<80x128xf32, #tpu.memory_space<vmem_shared>>
      tpu.wait_indirect_dma semaphore(%run_scoped3A : memref<!tpu.dma_semaphore, #tpu.memory_space<semaphore_mem>>) src(%arg11 : memref<80x128xf32, #tpu.memory_space<vmem>>) dst(%dma_wait3A_68 : memref<80x128xf32, #tpu.memory_space<vmem_shared>>)
      tpu.yield
    }) : () -> ()
    %barrier3A_55 = arith.constant 0 : index
    tpu.barrier barrier_id(%barrier3A_55)
    %mul3A_56 = arith.constant 640 : i32
    %mul3A_57 = arith.muli %arg1, %mul3A_56 : i32
    %mul3A_58 = arith.constant 640 : i32
    %mul3A_59 = arith.muli %arg1, %mul3A_58 : i32
    "tpu.region"() ({
      %run_scoped3A = tpu.sem_alloc : memref<!tpu.dma_semaphore, #tpu.memory_space<semaphore_mem>>
      %dma_start3A = arith.constant 0 : i32
      %dma_start3A_65 = tpu.memref_slice %arg6[%arg0, %mul3A_59, %dma_start3A] : memref<2x10240x128xf32, #tpu.memory_space<hbm>> -> memref<1x640x128xf32, #tpu.memory_space<hbm>>
      %dma_start3A_66 = tpu.memref_squeeze %dma_start3A_65 : memref<1x640x128xf32, #tpu.memory_space<hbm>> -> memref<640x128xf32, #tpu.memory_space<hbm>>
      %dma_start3A_67 = arith.constant 0 : i32
      %dma_start3A_68 = tpu.memref_slice %arg13[%mul3A_57, %dma_start3A_67] : memref<10240x128xf32, #tpu.memory_space<vmem_shared>> -> memref<640x128xf32, #tpu.memory_space<vmem_shared>>
      tpu.enqueue_dma source(%dma_start3A_68 : memref<640x128xf32, #tpu.memory_space<vmem_shared>>) target(%dma_start3A_66 : memref<640x128xf32, #tpu.memory_space<hbm>>) target_semaphore(%run_scoped3A : memref<!tpu.dma_semaphore, #tpu.memory_space<semaphore_mem>>)
      %dma_wait3A = arith.constant 0 : i32
      %dma_wait3A_69 = tpu.memref_slice %arg6[%arg0, %mul3A_59, %dma_wait3A] : memref<2x10240x128xf32, #tpu.memory_space<hbm>> -> memref<1x640x128xf32, #tpu.memory_space<hbm>>
      %dma_wait3A_70 = tpu.memref_squeeze %dma_wait3A_69 : memref<1x640x128xf32, #tpu.memory_space<hbm>> -> memref<640x128xf32, #tpu.memory_space<hbm>>
      %dma_wait3A_71 = arith.constant 0 : i32
      %dma_wait3A_72 = tpu.memref_slice %arg13[%mul3A_57, %dma_wait3A_71] : memref<10240x128xf32, #tpu.memory_space<vmem_shared>> -> memref<640x128xf32, #tpu.memory_space<vmem_shared>>
      tpu.wait_dma2 semaphore(%run_scoped3A : memref<!tpu.dma_semaphore, #tpu.memory_space<semaphore_mem>>) src(%dma_wait3A_72 : memref<640x128xf32, #tpu.memory_space<vmem_shared>>) dst(%dma_wait3A_70 : memref<640x128xf32, #tpu.memory_space<hbm>>)
      tpu.yield
    }) : () -> ()
    %lt3A_60 = arith.constant 10 : i32
    %lt3A_61 = arith.cmpi slt, %arg1, %lt3A_60 : i32
    %convert_element_type3A_62 = arith.extui %lt3A_61 : i1 to i32
    %cond3A_63 = arith.constant 0 : i32
    %cond3A_64 = arith.cmpi ne, %convert_element_type3A_62, %cond3A_63 : i32
    scf.if %cond3A_64 {
      %mul3A_65 = arith.constant 8 : i32
      %mul3A_66 = arith.muli %arg1, %mul3A_65 : i32
      %mul3A_67 = arith.constant 8 : i32
      %mul3A_68 = arith.muli %arg1, %mul3A_67 : i32
      "tpu.region"() ({
        %run_scoped3A = tpu.sem_alloc : memref<!tpu.dma_semaphore, #tpu.memory_space<semaphore_mem>>
        %dma_start3A = arith.constant 0 : i32
        %dma_start3A_69 = tpu.memref_slice %arg7[%arg0, %mul3A_68, %dma_start3A] : memref<2x80x128xf32, #tpu.memory_space<hbm>> -> memref<1x8x128xf32, #tpu.memory_space<hbm>>
        %dma_start3A_70 = tpu.memref_squeeze %dma_start3A_69 : memref<1x8x128xf32, #tpu.memory_space<hbm>> -> memref<8x128xf32, #tpu.memory_space<hbm>>
        %dma_start3A_71 = arith.constant 0 : i32
        %dma_start3A_72 = tpu.memref_slice %arg14[%mul3A_66, %dma_start3A_71] : memref<80x128xf32, #tpu.memory_space<vmem_shared>> -> memref<8x128xf32, #tpu.memory_space<vmem_shared>>
        tpu.enqueue_dma source(%dma_start3A_72 : memref<8x128xf32, #tpu.memory_space<vmem_shared>>) target(%dma_start3A_70 : memref<8x128xf32, #tpu.memory_space<hbm>>) target_semaphore(%run_scoped3A : memref<!tpu.dma_semaphore, #tpu.memory_space<semaphore_mem>>)
        %dma_wait3A = arith.constant 0 : i32
        %dma_wait3A_73 = tpu.memref_slice %arg7[%arg0, %mul3A_68, %dma_wait3A] : memref<2x80x128xf32, #tpu.memory_space<hbm>> -> memref<1x8x128xf32, #tpu.memory_space<hbm>>
        %dma_wait3A_74 = tpu.memref_squeeze %dma_wait3A_73 : memref<1x8x128xf32, #tpu.memory_space<hbm>> -> memref<8x128xf32, #tpu.memory_space<hbm>>
        %dma_wait3A_75 = arith.constant 0 : i32
        %dma_wait3A_76 = tpu.memref_slice %arg14[%mul3A_66, %dma_wait3A_75] : memref<80x128xf32, #tpu.memory_space<vmem_shared>> -> memref<8x128xf32, #tpu.memory_space<vmem_shared>>
        tpu.wait_dma2 semaphore(%run_scoped3A : memref<!tpu.dma_semaphore, #tpu.memory_space<semaphore_mem>>) src(%dma_wait3A_76 : memref<8x128xf32, #tpu.memory_space<vmem_shared>>) dst(%dma_wait3A_74 : memref<8x128xf32, #tpu.memory_space<hbm>>)
        tpu.yield
      }) : () -> ()
    } else {
    }
    return
  }
}

module attributes {stable_mosaic.version = 14 : i64} {
  func.func @_tc_linear_body(%arg0: i32, %arg1: memref<1024x128xf32, #tpu.memory_space<vmem>>, %arg2: memref<2x1024x128xf32, #tpu.memory_space<vmem>>, %arg3: memref<2x1024x1xf32, #tpu.memory_space<vmem>>, %arg4: memref<256x128xf32, #tpu.memory_space<vmem>>, %arg5: memref<1x128xf32, #tpu.memory_space<vmem>>, %arg6: memref<1024x128xf32, #tpu.memory_space<vmem>>) attributes {dimension_semantics = [#tpu.dimension_semantics<arbitrary>], iteration_bounds = array<i64: 10>, scalar_prefetch = 0 : i64, scratch_operands = 0 : i64, tpu.core_type = #tpu.core_type<tc>, window_params = [{transform_indices = @transform_0, window_bounds = array<i64: 1024, 128>}, {transform_indices = @transform_1, window_bounds = array<i64: 2, 1024, 128>}, {transform_indices = @transform_2, window_bounds = array<i64: 2, 1024, 1>}, {pipeline_mode = #tpu.pipeline_mode<synchronous>, transform_indices = @transform_3, window_bounds = array<i64: 256, 128>}, {pipeline_mode = #tpu.pipeline_mode<synchronous>, transform_indices = @transform_4, window_bounds = array<i64: 1, 128>}, {transform_indices = @transform_5, window_bounds = array<i64: 1024, 128>}]} {
    %get3A = arith.constant 0 : index
    %get3A_0 = arith.constant 0 : index
    %get3A_1 = arith.constant 0 : index
    %get3A_2 = vector.load %arg2[%get3A, %get3A_0, %get3A_1] : memref<2x1024x128xf32, #tpu.memory_space<vmem>>, vector<1x1024x128xf32>
    %get3A_3 = vector.shape_cast %get3A_2 : vector<1x1024x128xf32> to vector<1024x128xf32>
    %get3A_4 = arith.constant 1 : index
    %get3A_5 = arith.constant 0 : index
    %get3A_6 = arith.constant 0 : index
    %get3A_7 = vector.load %arg2[%get3A_4, %get3A_5, %get3A_6] : memref<2x1024x128xf32, #tpu.memory_space<vmem>>, vector<1x1024x128xf32>
    %get3A_8 = vector.shape_cast %get3A_7 : vector<1x1024x128xf32> to vector<1024x128xf32>
    %add3A = arith.addf %get3A_3, %get3A_8 : vector<1024x128xf32>
    %get3A_9 = arith.constant 0 : index
    %get3A_10 = arith.constant 0 : index
    %get3A_11 = arith.constant 0 : index
    %get3A_12 = vector.load %arg3[%get3A_9, %get3A_10, %get3A_11] : memref<2x1024x1xf32, #tpu.memory_space<vmem>>, vector<1x1024x1xf32>
    %get3A_13 = vector.shape_cast %get3A_12 : vector<1x1024x1xf32> to vector<1024x1xf32>
    %get3A_14 = arith.constant 1 : index
    %get3A_15 = arith.constant 0 : index
    %get3A_16 = arith.constant 0 : index
    %get3A_17 = vector.load %arg3[%get3A_14, %get3A_15, %get3A_16] : memref<2x1024x1xf32, #tpu.memory_space<vmem>>, vector<1x1024x1xf32>
    %get3A_18 = vector.shape_cast %get3A_17 : vector<1x1024x1xf32> to vector<1024x1xf32>
    %add3A_19 = arith.addf %get3A_13, %get3A_18 : vector<1024x1xf32>
    %max3A = arith.constant 1.000000e+00 : f32
    %max3A_20 = vector.broadcast %max3A : f32 to vector<1024x1xf32>
    %max3A_21 = arith.maximumf %add3A_19, %max3A_20 : vector<1024x1xf32>
    %div3A = arith.constant 1.000000e+00 : f32
    %div3A_22 = vector.broadcast %div3A : f32 to vector<1024x1xf32>
    %div3A_23 = arith.divf %div3A_22, %max3A_21 : vector<1024x1xf32>
    %mul3A = vector.broadcast %div3A_23 : vector<1024x1xf32> to vector<1024x128xf32>
    %mul3A_24 = arith.mulf %add3A, %mul3A : vector<1024x128xf32>
    %get3A_25 = arith.constant 0 : index
    %get3A_26 = arith.constant 0 : index
    %get3A_27 = vector.load %arg1[%get3A_25, %get3A_26] : memref<1024x128xf32, #tpu.memory_space<vmem>>, vector<1024x128xf32>
    %get3A_28 = arith.constant 0 : index
    %get3A_29 = arith.constant 0 : index
    %get3A_30 = vector.load %arg4[%get3A_28, %get3A_29] : memref<256x128xf32, #tpu.memory_space<vmem>>, vector<128x128xf32>
    %dot_general3A = arith.constant dense<0.000000e+00> : vector<1024x128xf32>
    %dot_general3A_31 = tpu.matmul %get3A_27, %get3A_30, %dot_general3A {dimension_numbers = #tpu.dot_dimension_numbers<[1], [0], [0], [1], [0, 0, 1, 1], [], []>, transpose_lhs_hint = false} : vector<1024x128xf32>, vector<128x128xf32>, vector<1024x128xf32> -> vector<1024x128xf32>
    %get3A_32 = arith.constant 128 : index
    %get3A_33 = arith.constant 0 : index
    %get3A_34 = vector.load %arg4[%get3A_32, %get3A_33] : memref<256x128xf32, #tpu.memory_space<vmem>>, vector<128x128xf32>
    %dot_general3A_35 = arith.constant dense<0.000000e+00> : vector<1024x128xf32>
    %dot_general3A_36 = tpu.matmul %mul3A_24, %get3A_34, %dot_general3A_35 {dimension_numbers = #tpu.dot_dimension_numbers<[1], [0], [0], [1], [0, 0, 1, 1], [], []>, transpose_lhs_hint = false} : vector<1024x128xf32>, vector<128x128xf32>, vector<1024x128xf32> -> vector<1024x128xf32>
    %add3A_37 = arith.addf %dot_general3A_31, %dot_general3A_36 : vector<1024x128xf32>
    %get3A_38 = arith.constant 0 : index
    %get3A_39 = arith.constant 0 : index
    %get3A_40 = vector.load %arg5[%get3A_38, %get3A_39] : memref<1x128xf32, #tpu.memory_space<vmem>>, vector<1x128xf32>
    %add3A_41 = vector.broadcast %get3A_40 : vector<1x128xf32> to vector<1024x128xf32>
    %add3A_42 = arith.addf %add3A_37, %add3A_41 : vector<1024x128xf32>
    %swap3A = arith.constant 0 : index
    %swap3A_43 = arith.constant 0 : index
    %swap3A_44 = vector.load %arg6[%swap3A, %swap3A_43] : memref<1024x128xf32, #tpu.memory_space<vmem>>, vector<1024x128xf32>
    tpu.vector_store %arg6[%swap3A, %swap3A_43], %add3A_42 {strides = array<i32>} : memref<1024x128xf32, #tpu.memory_space<vmem>>, vector<1024x128xf32>,
    return
  }
  func.func @transform_0(%arg0: i32) -> (i32, i32) {
    %c0_i32 = arith.constant 0 : i32
    %c0_i32_0 = arith.constant 0 : i32
    return %arg0, %c0_i32 : i32, i32
  }
  func.func @transform_1(%arg0: i32) -> (i32, i32, i32) {
    %c0_i32 = arith.constant 0 : i32
    %c0_i32_0 = arith.constant 0 : i32
    %c0_i32_1 = arith.constant 0 : i32
    return %c0_i32, %arg0, %c0_i32_0 : i32, i32, i32
  }
  func.func @transform_2(%arg0: i32) -> (i32, i32, i32) {
    %c0_i32 = arith.constant 0 : i32
    %c0_i32_0 = arith.constant 0 : i32
    %c0_i32_1 = arith.constant 0 : i32
    return %c0_i32, %arg0, %c0_i32_0 : i32, i32, i32
  }
  func.func @transform_3(%arg0: i32) -> (i32, i32) {
    %c0_i32 = arith.constant 0 : i32
    %c0_i32_0 = arith.constant 0 : i32
    %c0_i32_1 = arith.constant 0 : i32
    return %c0_i32, %c0_i32_0 : i32, i32
  }
  func.func @transform_4(%arg0: i32) -> (i32, i32) {
    %c0_i32 = arith.constant 0 : i32
    %c0_i32_0 = arith.constant 0 : i32
    %c0_i32_1 = arith.constant 0 : i32
    return %c0_i32, %c0_i32_0 : i32, i32
  }
  func.func @transform_5(%arg0: i32) -> (i32, i32) {
    %c0_i32 = arith.constant 0 : i32
    %c0_i32_0 = arith.constant 0 : i32
    return %arg0, %c0_i32 : i32, i32
  }
}

</mosaic_0001>

<sc_bundles>
// kernel: kernel.4.cloned.1.call-start
scs
__scs_entry_jumppad:
0x0: {  	(pc) =	sbr.rel $0x88, $3  }
0x1: {  	(tag) =	ssettag $0x0;
	lr =	simm.s32 $0x1  }
0x2: {  	[smem:$0x3F9D] =	sst lr;
	_ =	strace $0xD0000000  }
0x3: {  	_ = 	snop  }
0x4: {  	_ = 	snop  }
0x5: {  	_ = 	snop  }
0x6: {  	_ = 	snop  }
0x7: {  	_ = 	snop  }
__scs_overlays_trampoline_lowered:
0x8: {  	[smem:$0x3FAC] =	sst s0  }
0x9: {  	[smem:$0x3FAD] =	sst s1  }
0xa: {  	[smem:$0x3FAE] =	sst s2  }
0xb: {  	[smem:$0x3FAF] =	sst s3  }
0xc: {  	[smem:$0x3FB0] =	sst s4  }
0xd: {  	[smem:$0x3FB1] =	sst s5  }
0xe: {  	[smem:$0x3FB2] =	sst s6  }
0xf: {  	[smem:$0x3FB3] =	sst s7  }
0x10: {  	[smem:$0x3FB4] =	sst s8  }
0x11: {  	[smem:$0x3FB5] =	sst s9;
	s0 =	simm.s32 @!p0 $0x0  }
0x12: {  	s1 =	sld [smem:$0x3F9B];
	s0 =	simm.s32 @p0 $0x1  }
0x13: {  	[smem:$0x3FB6] =	sst s0;
	s0 =	simm.s32 @!p1 $0x0  }
0x14: {  	s2 =	sld [smem:$0x3F9A];
	s0 =	simm.s32 @p1 $0x1  }
0x15: {  	[smem:$0x3FB7] =	sst s0;
	s0 =	simm.s32 @!p2 $0x0  }
0x16: {  	s3 =	sld [smem:$0x3FDB];
	s0 =	simm.s32 @p2 $0x1  }
0x17: {  	s4 =	simm.s32 $0x1BF5;
	[smem:$0x3FB9] =	sst s0  }
0x18: {  	s0 =	sld [smem:$0x3F9C];
	_ =	swait.ge [sflag:s4], $0x0  }
0x19: {  	s7 =	sld [smem:$0x3F9D]  }
0x1a: {  	s8 =	sadd.s32 $0xFFFFE003, lr  }
0x1b: {  	s9 =	sadd.s32 $0xFFFFFEF7, lr;
	s5 =	simm.s32 $0xFFFFFFFF;
	p2 =	slt.u32 s8, $0xFFFFF086  }
0x1c: {  	p1 =	slt.u32 s9, $0xF7A;
	s5 =	simm.s32 @!p2 $0x0  }
0x1d: {  	s5 =	simm.s32 @p1 $0x1;
	p0 =	seq.s32 s7, s2  }
0x1e: {  	s7 =	smul.u32 @!p0 $0xF7A, s2;
	p2 =	seq.s32 @!p0 s5, $0x0  }
0x1f: {  	s9 =	smul.u32 $0xF7A, s1;
	s8 =	simm.s32 @!p0 $0x1BF5;
	p2 =	por !p2, p0  }
0x20: {  	[sflag:s8] =	ssyncset.s32 @!p0 $0xFFFFF086;
	s6 =	sadd.s32 @!p0 s3, s7;
	s7 =	simm.s32 @!p0 $0x108  }
0x21: {  	s3 =	sadd.s32 s3, s9;
	s6 =	sadd.s32 @!p0 $0x88, s6;
	s7 =	simm.s32 @p2 $0x1082  }
0x22: {  	[simem:s7], [sflag:s8] =	dma.local @!p0 [hbm:s6], $0xF7A  }
0x23: {  	s9 =	sor.u32 $0xD0000000, s2;
	s6 =	simm.s32 $0x108;
	_ =	swait.ge @!p0 [sflag:s8], $0x0  }
0x24: {  	s3 =	sadd.s32 $0x88, s3;
	s6 =	simm.s32 @!p1 $0x1082;
	[sflag:s4] =	ssyncset.s32 $0xFFFFF086  }
0x25: {  	[simem:s6], [sflag:s4] =	dma.local [hbm:s3], $0xF7A  }
0x26: {  	[smem:$0x3F9D] =	sst s1;
	(tag) =	ssettag s2;
	_ =	strace s9  }
0x27: {  	s1 =	sld [smem:$0x3FAD]  }
0x28: {  	s2 =	sld [smem:$0x3FAE]  }
0x29: {  	s4 =	sld [smem:$0x3FB0]  }
0x2a: {  	p0 =	seq.s32 s5, $0x0;
	s5 =	sld [smem:$0x3FB1]  }
0x2b: {  	s6 =	sld [smem:$0x3FB2]  }
0x2c: {  	s7 =	sld [smem:$0x3FB3]  }
0x2d: {  	s3 =	simm.s32 $0x108;
	s8 =	sld [smem:$0x3FB4]  }
0x2e: {  	s3 =	simm.s32 @!p0 $0x1082;
	s9 =	sld [smem:$0x3FB5]  }
0x2f: {  	lr =	sadd.s32 s0, s3;
	s0 =	sld [smem:$0x3FAC]  }
0x30: {  	s3 =	sld [smem:$0x3FAF]  }
0x31: {  	[smem:$0x3FB8] =	sst s10  }
0x32: {  	s10 =	sld [smem:$0x3FB6];
	_ =	sdelay $0x3  }
0x33: {  	p0 =	seq.s32 s10, $0x1;
	s10 =	sld [smem:$0x3FB8];
	_ =	sdelay $0x3  }
0x34: {  	[smem:$0x3FB8] =	sst s10  }
0x35: {  	s10 =	sld [smem:$0x3FB7];
	_ =	sdelay $0x3  }
0x36: {  	p1 =	seq.s32 s10, $0x1;
	s10 =	sld [smem:$0x3FB8];
	_ =	sdelay $0x3  }
0x37: {  	[smem:$0x3FB8] =	sst s10  }
0x38: {  	s10 =	sld [smem:$0x3FB9]  }
0x39: {  	_ = 	snop;
	(pc) =	sbr.ind lr, $3  }
0x3a: {  	_ = 	snop  }
0x3b: {  	_ = 	snop  }
0x3c: {  	p2 =	seq.s32 s10, $0x1;
	s10 =	sld [smem:$0x3FB8]  }
0x3d: {  	_ =	shalt  }
0x3e: {  	_ =	shalt  }
0x3f: {  	_ =	shalt  }
0x40: {  	_ =	shalt  }
0x41: {  	_ =	shalt  }
0x42: {  	_ =	shalt  }
0x43: {  	_ =	shalt  }
0x44: {  	_ =	shalt  }
0x45: {  	_ =	shalt  }
0x46: {  	_ =	shalt  }
0x47: {  	_ =	shalt  }
0x48: {  	_ =	shalt  }
0x49: {  	_ =	shalt  }
0x4a: {  	_ =	shalt  }
0x4b: {  	_ =	shalt  }
0x4c: {  	_ =	shalt  }
0x4d: {  	_ =	shalt  }
0x4e: {  	_ =	shalt  }
0x4f: {  	_ =	shalt  }
0x50: {  	_ =	shalt  }
0x51: {  	_ =	shalt  }
0x52: {  	_ =	shalt  }
0x53: {  	_ =	shalt  }
0x54: {  	_ =	shalt  }
0x55: {  	_ =	shalt  }
0x56: {  	_ =	shalt  }
0x57: {  	_ =	shalt  }
0x58: {  	_ =	shalt  }
0x59: {  	_ =	shalt  }
0x5a: {  	_ =	shalt  }
0x5b: {  	_ =	shalt  }
0x5c: {  	_ =	shalt  }
0x5d: {  	_ =	shalt  }
0x5e: {  	_ =	shalt  }
0x5f: {  	_ =	shalt  }
0x60: {  	_ =	shalt  }
0x61: {  	_ =	shalt  }
0x62: {  	_ =	shalt  }
0x63: {  	_ =	shalt  }
0x64: {  	_ =	shalt  }
0x65: {  	_ =	shalt  }
0x66: {  	_ =	shalt  }
0x67: {  	_ =	shalt  }
0x68: {  	_ =	shalt  }
0x69: {  	_ =	shalt  }
0x6a: {  	_ =	shalt  }
0x6b: {  	_ =	shalt  }
0x6c: {  	_ =	shalt  }
0x6d: {  	_ =	shalt  }
0x6e: {  	_ =	shalt  }
0x6f: {  	_ =	shalt  }
0x70: {  	_ =	shalt  }
0x71: {  	_ =	shalt  }
0x72: {  	_ =	shalt  }
0x73: {  	_ =	shalt  }
0x74: {  	_ =	shalt  }
0x75: {  	_ =	shalt  }
0x76: {  	_ =	shalt  }
0x77: {  	_ =	shalt  }
0x78: {  	_ =	shalt  }
0x79: {  	_ =	shalt  }
0x7a: {  	_ =	shalt  }
0x7b: {  	_ =	shalt  }
0x7c: {  	_ =	shalt  }
0x7d: {  	_ =	shalt  }
0x7e: {  	_ =	shalt  }
0x7f: {  	_ =	shalt  }
0x80: {  	_ =	shalt  }
0x81: {  	_ =	shalt  }
0x82: {  	_ =	shalt  }
0x83: {  	_ =	shalt  }
0x84: {  	_ =	shalt  }
0x85: {  	_ =	shalt  }
0x86: {  	_ =	shalt  }
0x87: {  	_ =	shalt  }
.Lfunc_end0:
.L_simem_size_0:
called_computation_lowered:
.L_overlay_start_0:
0x88: {  	s2 =	sld [smem:$0x3FD9]  }
0x89: {  	s3 =	sld [smem:$0x3FFE];
	_ =	sdelay $0x1  }
0x8a: {  	s1 =	srdreg.scid  }
0x8b: {  	s0 =	sand.u32 $0x1, s1  }
0x8c: {  	s17 =	sshll.u32 s0, $0xA;
	s2 =	sadd.s32 s3, s2  }
0x8d: {  	s2 =	sadd.s32 s2, s17  }
0x8e: {  	[smem:$0x3FC4] =	sst s2  }
0x8f: {  	_ = 	snop  }
0x90: {  	s2 =	sld [smem:$0x3FC9]  }
0x91: {  	s18 =	sld [smem:$0x3FD0];
	(tm) =	ssettm $0x1  }
0x92: {  	s4 =	sld [smem:$0x3FFB];
	_ =	sdelay $0x3  }
0x93: {  	_ =	strace s4  }
0x94: {  	s4 =	sld [smem:$0x3FFC];
	_ =	sdelay $0x3  }
0x95: {  	_ =	strace s4  }
0x96: {  	s4 =	sld [smem:$0x3FFD];
	_ =	sdelay $0x3  }
0x97: {  	_ =	strace s4  }
0x98: {  	_ =	strace $0x8FFFFFFF  }
0x99: {  	s19 =	sld [smem:$0x3FDB];
	_ =	sdelay $0x1  }
0x9a: {  	s5 =	simm.s32 $_scs_section_size  }
0x9b: {  	s6 =	simm.s32 $_size__tile_overlayer_lowered;
	s7 =	simm.s32 $_tile_overlayer_lowered  }
0x9c: {  	s22 =	simm.s32 $0x1BFF;
	s21 =	sshll.u32 s7, $0x1;
	s4 =	sadd.s32 s5, s19  }
0x9d: {  	s8 =	simm.s32 $0x0;
	s20 =	sshll.u32 s6, $0x1;
	s6 =	sadd.s32 s21, s4  }
0x9e: {  	[timem:s8], [sflag:s22] =	dma.local [hbm:s6], s20  }
0x9f: {  	_ =	swait.ge [sflag:s22], s20  }
0xa0: {  	s5 =	ssub.s32 $0x0, s20;
	[sflag:s22] =	ssyncset.done $0x0  }
0xa1: {  	[sflag:s22] =	ssyncadd.s32 s5;
	_ =	sdelay $0x1  }
0xa2: {  	s23 =	simm.s32 $0x1B8B  }
0xa3: {  	_ =	swait.ge [sflag:s23], $0x1  }
0xa4: {  	[sflag:s23] =	ssyncset.done $0x0  }
0xa5: {  	s25 =	simm.s32 $0x1B8E;
	s24 =	sld [smem:$0x3FFE];
	[sflag:s23] =	ssyncadd.s32 $0xFFFFFFFF  }
0xa6: {  	s26 =	simm.s32 $execute0_lowered;
	[smem:$0x3FD2] =	sst s25  }
0xa7: {  	s6 =	sshll.u32 s26, $0x1;
	_ =	strace $0x80000046;
	[dreg:$0x1] =	wrdreg $0xFFFFFFFF  }
0xa8: {  	s28 =	simm.s32 $_size_execute0_lowered;
	s4 =	sadd.s32 s4, s6;
	[dreg:$0x0] =	wrdreg $0x0  }
0xa9: {  	s6 =	sshll.u32 s28, $0x1;
	[dreg:$0x2] =	wrdreg s4  }
0xaa: {  	[dreg:$0x3] =	wrdreg s6  }
0xab: {  	[dreg:$0x4] =	wrdreg $0xC0  }
0xac: {  	_ =	task [dreg:s8], $0x5FFFF  }
0xad: {  	[dreg:$0x1] =	wrdreg $0xFFFFFFFF  }
0xae: {  	[dreg:$0x0] =	wrdreg $0x60  }
0xaf: {  	[dreg:$0x2] =	wrdreg s2  }
0xb0: {  	[dreg:$0x3] =	wrdreg s18  }
0xb1: {  	[dreg:$0x4] =	wrdreg s24  }
0xb2: {  	[dreg:$0x5] =	wrdreg $0xB8800  }
0xb3: {  	[dreg:$0x6] =	wrdreg $0x1F8800  }
0xb4: {  	[dreg:$0x7] =	wrdreg $0x9  }
0xb5: {  	_ =	task.clear_ibuf [dreg:s8], $0x8FFFF;
	_ =	strace $0x90000046  }
0xb6: {  	s29 =	simm.s32 $0x9;
	_ =	strace $0x80000048  }
0xb7: {  	_ =	swait.ge [sflag:s29], $0x1  }
0xb8: {  	[sflag:s29] =	ssyncadd.s32 $0xFFFFFFFF  }
0xb9: {  	_ =	strace $0x90000048  }
0xba: {  	_ =	sfence  }
0xbb: {  	s30 =	sld [smem:$0x0];
	_ =	sdelay $0x2  }
0xbc: {  	s31 =	sshll.u32 s1, $0xD;
	s1 =	sshrl.u32 s1, $0x2  }
0xbd: {  	s3 =	sand.u32 $0x4000, s31;
	s1 =	sadd.s32 s1, s30  }
0xbe: {  	s0 =	sor.u32 s3, s0;
	s1 =	sshll.u32 s1, $0x11  }
0xbf: {  	s0 =	sor.u32 s1, s0  }
0xc0: {  	s0 =	sadd.s32 $0x8F2B, s0  }
0xc1: {  	[sflag:s0] =	ssyncadd.remote.s32 $0x1  }
0xc2: {  	_ =	sfence.sel $0xFFFF  }
0xc3: {  	[dreg:$0x0] =	wrdreg $0xFFFFFFFF;
	(pc) =	sbr.abs _section_cstart, $3  }
0xc4: {  	[dreg:$0x1] =	wrdreg $0xFFFFFFFF  }
0xc5: {  	_ =	task.clear_ibuf [dreg:s8], $0x2FFFF;
	_ =	strace $0x9FFFFFFF  }
0xc6: {  	(tm) =	ssettm $0x7FFFFFFF  }
0xc7: {  	_ =	shalt  }
tec
execute0_lowered:
.L_overlay_start_1:
0x0: {  	(tag) =	ssettag $0x1  }
0x1: {  	s1 =	rddreg [dreg:$0x0]  }
0x2: {  	s13 =	rddreg [dreg:$0x1]  }
0x3: {  	s8 =	rddreg [dreg:$0x2]  }
0x4: {  	s2 =	rddreg [dreg:$0x3]  }
0x5: {  	s4 =	rddreg [dreg:$0x4]  }
0x6: {  	s3 =	srdreg.scid;
	s0 =	rddreg [dreg:$0x5]  }
0x7: {  	s5 =	simm.s32 $0x0;
	s19 =	simm.s32 $0x2;
	s20 =	simm.s32 $0x2800  }
0x8: {  	s21 =	simm.s32 $0xB800;
	s22 =	simm.s32 $0x80;
	s7 =	sand.u32 $0x1, s3  }
0x9: {  	s23 =	simm.s32 $0x9000;
	s3 =	stileid.u32;
	s9 =	smul.u32 $0x140000, s7  }
0xa: {  	s24 =	simm.s32 $0x1;
	s25 =	simm.s32 $0x50;
	s10 =	smul.u32 $0x14000, s3  }
0xb: {  	[smem:$0x7FF] =	sst s5;
	s6 =	sshll.u32 s7, $0x4;
	s28 =	smul.u32 $0x2800, s7  }
0xc: {  	_ =	strace $0x80000047;
	s11 =	smul.u32 $0x50000, s3;
	s12 =	sshll.u32 s3, $0xA  }
0xd: {  	s29 =	ssub.s32 $0x2, s7;
	p0 =	sgt.u32 s3, $0x9;
	s6 =	sor.u32 s3, s6  }
0xe: {  	s31 =	sshrl.u32 s29, $0x1;
	s14 =	smul.u32 $0x500, s6;
	s26 =	sadd.s32 s10, s9  }
0xf: {  	s6 =	sadd.s32 $0xAE00, s8;
	s9 =	sadd.s32 s12, s28;
	s30 =	sshrl.u32 s11, $0x2  }
0x10: {  	s18 =	ssub.s32 s29, s31;
	s12 =	sadd.s32 s12, s4;
	s10 =	sshrl.u32 s26, $0x3  }
0x11: {  	s9 =	sshrl.u32 s9, $0x3;
	s7 =	sadd.s32 s30, s2;
	s15 =	sadd.s32 s14, s8  }
0x12: {  	s16 =	sadd.s32 s10, s8;
	s17 =	sadd.s32 s9, s8;
	s8 =	sadd.s32 $0x4000, s7  }
0x13: {  	s9 =	sadd.s32 $0x8000, s7;
	s10 =	sadd.s32 $0xC000, s7;
	s11 =	sadd.s32 $0x10000, s7  }
0x14: {  	s13 =	sadd.s32 s13, s14;
	s14 =	sadd.s32 $0xE00, s15;
	s15 =	sadd.s32 $0xBA00, s16  }
0x15: {  	v0 =	vimm.f32 $0.0e+00;
	s16 =	sadd.s32 $0xB000, s17;
	s17 =	smax.u32 s18, $0x1;
	s18 =	simm.s32 $0x5000  }
.LBB2_1:
0x16: {  	s26 =	simm.s32 $0x0;
	s28 =	simm.s32 $0x0  }
.LBB2_2:
0x17: {  	p1 =	sne.s32 s28, $0xFFC0  }
.Ltmp0:
0x18: {  	_ = 	snop;
	(pc) =	sbr.rel @p1 .LBB2_2-.Ltmp0, $4  }
0x19: {  	s29 =	sand.u32 $0xFE00, s28  }
0x1a: {  	s30 =	sand.u32 $0x70, s26;
	s29 =	sshrl.u32 s29, $0x2  }
0x1b: {  	s29 =	sor.u32 s30, s29  }
0x1c: {  	s26 =	sadd.s32 $0x10, s26;
	s28 =	sadd.s32 $0x40, s28;
	[tilespmem:s29+$0x5000] =	vst v0  }
0x1d: {  	s26 =	simm.s32 $0x0  }
0x1e: {  	s28 =	sand.u32 $0xFE00, s26  }
0x1f: {  	s29 =	sand.u32 $0x70, s26;
	s30 =	sshrl.u32 s28, $0x2  }
0x20: {  	s28 =	simm.s32 $0x40;
	s29 =	sor.u32 s29, s30  }
.LBB2_4:
0x21: {  	p1 =	sne.s32 s28, $0x9FC0  }
0x22: {  	[tilespmem:s29+$0x9000] =	vst v0;
	s26 =	sadd.s32 $0x10, s26;
	s29 =	smov.u32 s28;
	s28 =	sadd.s32 $0x40, s28  }
.Ltmp1:
0x23: {  	(pc) =	sbr.rel @p1 .LBB2_4-.Ltmp1, $4  }
0x24: {  	_ = 	snop  }
0x25: {  	s29 =	sand.u32 $0xFE00, s29  }
0x26: {  	s30 =	sand.u32 $0x70, s26;
	s29 =	sshrl.u32 s29, $0x2  }
0x27: {  	s29 =	sor.u32 s30, s29  }
0x28: {  	[tilespmem:s29+$0x9000] =	vst v0  }
0x29: {  	[spmem:s7] =	stream.linear.scatter [tilespmem:s18], [sflag:$0x2], $0x4000, $0x38;
	[tilespmem:$0x1FB00] =	vst v63  }
0x2a: {  	_ =	swait.ge [sflag:s19], $0x4000  }
0x2b: {  	[sflag:s19] =	ssyncset.done $0x0  }
0x2c: {  	[sflag:s19] =	ssyncadd.s32 $0xFFFFC000  }
0x2d: {  	[spmem:s8] =	stream.linear.scatter [tilespmem:s18], [sflag:$0x2], $0x4000, $0x38;
	[tilespmem:$0x1FB00] =	vst v63  }
0x2e: {  	_ =	swait.ge [sflag:s19], $0x4000  }
0x2f: {  	[sflag:s19] =	ssyncset.done $0x0  }
0x30: {  	[sflag:s19] =	ssyncadd.s32 $0xFFFFC000  }
0x31: {  	[spmem:s9] =	stream.linear.scatter [tilespmem:s18], [sflag:$0x2], $0x4000, $0x38;
	[tilespmem:$0x1FB00] =	vst v63  }
0x32: {  	_ =	swait.ge [sflag:s19], $0x4000  }
0x33: {  	[sflag:s19] =	ssyncset.done $0x0  }
0x34: {  	[sflag:s19] =	ssyncadd.s32 $0xFFFFC000  }
0x35: {  	[spmem:s10] =	stream.linear.scatter [tilespmem:s18], [sflag:$0x2], $0x4000, $0x38;
	[tilespmem:$0x1FB00] =	vst v63  }
0x36: {  	_ =	swait.ge [sflag:s19], $0x4000  }
0x37: {  	[sflag:s19] =	ssyncset.done $0x0  }
0x38: {  	[sflag:s19] =	ssyncadd.s32 $0xFFFFC000  }
0x39: {  	[spmem:s11] =	stream.linear.scatter [tilespmem:s18], [sflag:$0x2], $0x4000, $0x38;
	[tilespmem:$0x1FB00] =	vst v63  }
0x3a: {  	_ =	swait.ge [sflag:s19], $0x4000  }
0x3b: {  	[sflag:s19] =	ssyncset.done $0x0  }
0x3c: {  	s26 =	simm.s32 @!p0 $0x5000;
	[sflag:s19] =	ssyncadd.s32 $0xFFFFC000  }
0x3d: {  	[spmem:s12] =	stream.linear.scatter @!p0 [tilespmem:s26], [sflag:$0x2], $0x400, $0x38;
	[tilespmem:$0x1FB00] =	vst v63  }
0x3e: {  	s26 =	simm.s32 @!p0 $0x2  }
0x3f: {  	_ =	swait.ge @!p0 [sflag:s26], $0x400  }
0x40: {  	[sflag:s26] =	ssyncset.done @!p0 $0x0  }
0x41: {  	[sflag:s26] =	ssyncadd.s32 @!p0 $0xFFFFFC00  }
0x42: {  	s26 =	simm.s32 $0x0;
	[bflag:$0x0] =	sbarrier.arrive $0xFFFF  }
0x43: {  	[tilespmem:s26], [sflag:$0x2] =	stream.linear.gather [hbm4b:s13+s26], $0x2780, $0x38;
	[tilespmem:$0x1FB00] =	vst v63  }
0x44: {  	_ =	swait.ge [sflag:s19], $0x2780  }
0x45: {  	[sflag:s19] =	ssyncset.done $0x0  }
0x46: {  	[sflag:s19] =	ssyncadd.s32 $0xFFFFD880  }
0x47: {  	[tilespmem:s20], [sflag:$0x2] =	stream.linear.gather [hbm4b:s14+s26], $0x2780, $0x38;
	[tilespmem:$0x1FB00] =	vst v63  }
0x48: {  	_ =	swait.ge [sflag:s19], $0x2780  }
0x49: {  	[sflag:s19] =	ssyncset.done $0x0  }
0x4a: {  	[sflag:s19] =	ssyncadd.s32 $0xFFFFD880  }
0x4b: {  	[tilespmem:s21], [sflag:$0x2] =	stream.linear.gather [hbm4b:s6+s26], $0x80, $0x38;
	[tilespmem:$0x1FB00] =	vst v63  }
0x4c: {  	_ =	swait.ge [sflag:s19], $0x80  }
0x4d: {  	[sflag:s19] =	ssyncset.done $0x0  }
0x4e: {  	[sflag:s19] =	ssyncadd.s32 $0xFFFFFF80  }
0x4f: {  	v1 =	vld [tilespmem:$0xB800];
	_ =	sdelay $0x4  }
0x50: {  	(xrf1) =	vunique.msk.u32 $0xffff, v1;
	_ =	sdelay $0xd  }
0x51: {  	_, v1, _ =	vpop (xrf1)  }
0x52: {  	v1 =	vxor.u32 $0x80000000, v1  }
0x53: {  	(xrf0) =	vmax.scan.msk.u32 $0xffff, v1;
	_ =	sdelay $0x5  }
0x54: {  	v1, _, _ =	vpop (xrf0)  }
0x55: {  	(v2sf) =	vpush v1, $0xF;
	_ =	sdelay $0xe  }
0x56: {  	s28 =	spop (v2sf)  }
0x57: {  	s28 =	sxor.u32 $0x80000000, s28  }
0x58: {  	s28 =	ssub.s32 $0x1, s28  }
0x59: {  	v1 =	vmov s28  }
.LBB2_6:
0x5a: {  	s28 =	sshra.s32 s26, $0x2  }
0x5b: {  	[tilespmem:s18], [sflag:$0x1] =	stream.indirect.gather [hbm4b:s1+s22], $0x80, s28, s22, $0xb8;
	[tilespmem:$0x1FB00] =	vst v63  }
0x5c: {  	v2 =	vld [tilespmem:s28+$0x2800];
	_ =	sdelay $0x4  }
0x5d: {  	(xrf1) =	vunique.msk.u32 $0xffff, v2;
	_ =	sdelay $0xd  }
0x5e: {  	_, v3, vm0 =	vpop (xrf1);
	_ =	sdelay $0x2  }
0x5f: {  	v3 =	vadd.s32 v1, v3  }
0x60: {  	v3 =	vcvt.s32.f32 v3;
	_ =	sdelay $0x1  }
0x61: {  	[tilespmem:v2+s23+$0x0] =	vst.idx.add.f32.msk vm0, v3  }
0x62: {  	v2 =	vld [tilespmem:s28+$0x2810];
	_ =	sdelay $0x4  }
0x63: {  	(xrf1) =	vunique.msk.u32 $0xffff, v2;
	_ =	sdelay $0xd  }
0x64: {  	_, v3, vm0 =	vpop (xrf1);
	_ =	sdelay $0x2  }
0x65: {  	v3 =	vadd.s32 v1, v3  }
0x66: {  	v3 =	vcvt.s32.f32 v3;
	_ =	sdelay $0x1  }
0x67: {  	[tilespmem:v2+s23+$0x0] =	vst.idx.add.f32.msk vm0, v3  }
0x68: {  	v2 =	vld [tilespmem:s28+$0x2820];
	_ =	sdelay $0x4  }
0x69: {  	(xrf1) =	vunique.msk.u32 $0xffff, v2;
	_ =	sdelay $0xd  }
0x6a: {  	_, v3, vm0 =	vpop (xrf1);
	_ =	sdelay $0x2  }
0x6b: {  	v3 =	vadd.s32 v1, v3  }
0x6c: {  	v3 =	vcvt.s32.f32 v3;
	_ =	sdelay $0x1  }
0x6d: {  	[tilespmem:v2+s23+$0x0] =	vst.idx.add.f32.msk vm0, v3  }
0x6e: {  	v2 =	vld [tilespmem:s28+$0x2830];
	_ =	sdelay $0x4  }
0x6f: {  	(xrf1) =	vunique.msk.u32 $0xffff, v2;
	_ =	sdelay $0xd  }
0x70: {  	_, v3, vm0 =	vpop (xrf1);
	_ =	sdelay $0x2  }
0x71: {  	v3 =	vadd.s32 v1, v3  }
0x72: {  	v3 =	vcvt.s32.f32 v3;
	_ =	sdelay $0x1  }
0x73: {  	[tilespmem:v2+s23+$0x0] =	vst.idx.add.f32.msk vm0, v3  }
0x74: {  	v2 =	vld [tilespmem:s28+$0x2840];
	_ =	sdelay $0x4  }
0x75: {  	(xrf1) =	vunique.msk.u32 $0xffff, v2;
	_ =	sdelay $0xd  }
0x76: {  	_, v3, vm0 =	vpop (xrf1);
	_ =	sdelay $0x2  }
0x77: {  	v3 =	vadd.s32 v1, v3  }
0x78: {  	v3 =	vcvt.s32.f32 v3;
	_ =	sdelay $0x1  }
0x79: {  	[tilespmem:v2+s23+$0x0] =	vst.idx.add.f32.msk vm0, v3  }
0x7a: {  	v2 =	vld [tilespmem:s28+$0x2850];
	_ =	sdelay $0x4  }
0x7b: {  	(xrf1) =	vunique.msk.u32 $0xffff, v2;
	_ =	sdelay $0xd  }
0x7c: {  	_, v3, vm0 =	vpop (xrf1);
	_ =	sdelay $0x2  }
0x7d: {  	v3 =	vadd.s32 v1, v3  }
0x7e: {  	v3 =	vcvt.s32.f32 v3;
	_ =	sdelay $0x1  }
0x7f: {  	[tilespmem:v2+s23+$0x0] =	vst.idx.add.f32.msk vm0, v3  }
0x80: {  	v2 =	vld [tilespmem:s28+$0x2860];
	_ =	sdelay $0x4  }
0x81: {  	(xrf1) =	vunique.msk.u32 $0xffff, v2;
	_ =	sdelay $0xd  }
0x82: {  	_, v3, vm0 =	vpop (xrf1);
	_ =	sdelay $0x2  }
0x83: {  	v3 =	vadd.s32 v1, v3  }
0x84: {  	v3 =	vcvt.s32.f32 v3;
	_ =	sdelay $0x1  }
0x85: {  	[tilespmem:v2+s23+$0x0] =	vst.idx.add.f32.msk vm0, v3  }
0x86: {  	v2 =	vld [tilespmem:s28+$0x2870];
	_ =	sdelay $0x4  }
0x87: {  	(xrf1) =	vunique.msk.u32 $0xffff, v2;
	_ =	sdelay $0xd  }
0x88: {  	_, v3, vm0 =	vpop (xrf1);
	_ =	sdelay $0x2  }
0x89: {  	v3 =	vadd.s32 v1, v3  }
0x8a: {  	v3 =	vcvt.s32.f32 v3;
	_ =	sdelay $0x1  }
0x8b: {  	[tilespmem:v2+s23+$0x0] =	vst.idx.add.f32.msk vm0, v3  }
0x8c: {  	_ =	swait.ge [sflag:s24], $0x4000  }
0x8d: {  	p1 =	sne.s32 s26, $0x9C00;
	[sflag:s24] =	ssyncset.done $0x0  }
.Ltmp2:
0x8e: {  	s28 =	sadd.s32 $0x2800, s28;
	[sflag:s24] =	ssyncadd.s32 $0xFFFFC000;
	(pc) =	sbr.rel @p1 .LBB2_6-.Ltmp2, $4  }
0x8f: {  	[spmem:s2] =	stream.indirect.scatter.add.f32 [tilespmem:s18], [sflag:$0x2], $0x80, s28, s22, $0xb8;
	[tilespmem:$0x1FB00] =	vst v63  }
0x90: {  	_ =	swait.ge [sflag:s19], $0x4000  }
0x91: {  	[sflag:s19] =	ssyncset.done $0x0  }
0x92: {  	s26 =	sadd.s32 $0x200, s26;
	[sflag:s19] =	ssyncadd.s32 $0xFFFFC000  }
0x93: {  	[bflag:$0x0] =	sbarrier.arrive $0xFFFF  }
0x94: {  	[spmem:s4] =	stream.indirect.scatter.add.f32 [tilespmem:s23], [sflag:$0x2], $0x80, s21, s25, $0xb8;
	[tilespmem:$0x1FB00] =	vst v63  }
0x95: {  	_ =	swait.ge [sflag:s19], $0x2800  }
0x96: {  	[sflag:s19] =	ssyncset.done $0x0  }
0x97: {  	s26 =	sshll.u32 s3, $0x6;
	[sflag:s19] =	ssyncadd.s32 $0xFFFFD800  }
0x98: {  	s28 =	sshrl.u32 s7, $0x3;
	s26 =	sor.u32 $0x1C02, s26;
	[bflag:$0x0] =	sbarrier.arrive $0xFFFF  }
0x99: {  	[hbm:s15], [sflag:s26] =	dma.local [spmem:s28], $0x2800  }
0x9a: {  	_ =	swait.ge [sflag:s19], $0x2800  }
0x9b: {  	s5 =	sadd.s32 $0x1, s5;
	[sflag:s19] =	ssyncset.done $0x0  }
0x9c: {  	p1 =	sne.s32 s5, s17;
	s28 =	sshrl.u32 @!p0 s12, $0x3;
	[sflag:s19] =	ssyncadd.s32 $0xFFFFD800  }
0x9d: {  	[hbm:s16], [sflag:s26] =	dma.local @!p0 [spmem:s28], $0x80  }
.Ltmp3:
0x9e: {  	_ = 	snop;
	(pc) =	sbr.rel @p1 .LBB2_1-.Ltmp3, $4  }
0x9f: {  	s26 =	simm.s32 @!p0 $0x2  }
0xa0: {  	_ =	swait.ge @!p0 [sflag:s26], $0x80  }
0xa1: {  	[sflag:s26] =	ssyncset.done @!p0 $0x0  }
0xa2: {  	[sflag:s26] =	ssyncadd.s32 @!p0 $0xFFFFFF80  }
0xa3: {  	_ =	sfence.sel $0x180000  }
0xa4: {  	[bflag:$0x0] =	sbarrier.arrive $0xFFFF  }
0xa5: {  	p0 =	sne.s32 s3, $0x0;
	_ =	strace $0x90000047  }
0xa6: {  	s0 =	sadd.s32 @!p0 $0x100000, s0;
	[bflag:$0x2] =	sbarrier.arrive $0xFFFF  }
0xa7: {  	[sflag:s0] =	ssyncadd.tile.s32 @!p0 $0x1;
	_ =	shalt  }
.Lfunc_end2:
_tile_overlayer_lowered:
.L_overlay_start_2:
0xa8: {  	(tag) =	ssettag $0x2  }
0xa9: {  	s0 =	rddreg [dreg:$0x0];
	s2 =	stileid.u32  }
0xaa: {  	s1 =	rddreg [dreg:$0x1];
	p0 =	sne.s32 s2, $0x0  }
0xab: {  	s3 =	rddreg [dreg:$0x2];
	[bflag:$0x3] =	sbarrier.arrive $0xFFFF;
	s2 =	simm.s32 @!p0 $0x1C02  }
0xac: {  	[timem:s3], [sflag:s2] =	dma.local @!p0 [hbm:s0], s1  }
0xad: {  	s0 =	simm.s32 @!p0 $0x2  }
0xae: {  	_ =	swait.ge @!p0 [sflag:s0], s1  }
0xaf: {  	s1 =	ssub.s32 @!p0 $0x0, s1;
	[sflag:s0] =	ssyncset.done @!p0 $0x0  }
0xb0: {  	[sflag:s0] =	ssyncadd.s32 @!p0 s1  }
0xb1: {  	[bflag:$0x3] =	sbarrier.arrive $0xFFFF  }
0xb2: {  	_ =	shalt  }

</sc_bundles>
